<compile_context>
chip_gen: v7x
topology: tpu7x:2x2x1
jax: 0.10.2.dev20260603
libtpu: 0.0.44.dev20260713+nightly
codegen_flags: <defaults>
</compile_context>

<pallas_src>
import functools

import jax
import jax.numpy as jnp
from jax import lax
from jax.experimental import pallas as pl
from jax.experimental.pallas import tpu as pltpu
from jax.experimental.pallas import tpu_sc as plsc

B = 16384
F = 100
V = 1000
D = 64
R = 40

NC = 2
NS = 16
NW = NC * NS
BPW = B // NW
GB = 128
NBLK = BPW // GB
LANES = 16
CS = D // LANES
FG = 5
NG = F // FG


@functools.lru_cache(maxsize=None)
def _make_sc_sum(nch=1, ci=0):
    bc = B // nch
    bpw = bc // NW
    nblk = bpw // GB
    mesh = plsc.VectorSubcoreMesh(
        core_axis_name="c", subcore_axis_name="s", num_cores=NC, num_subcores=NS
    )

    @functools.partial(
        pl.kernel,
        out_type=jax.ShapeDtypeStruct((bc, D), jnp.float32),
        mesh=mesh,
        scratch_types=[
            pltpu.VMEM((F, GB), jnp.int32),
            pltpu.VMEM((FG, GB, D), jnp.float32),
            pltpu.VMEM((FG, GB, D), jnp.float32),
            pltpu.VMEM((GB, D), jnp.float32),
            pltpu.SemaphoreType.DMA,
            pltpu.SemaphoreType.DMA,
        ],
        compiler_params=pltpu.CompilerParams(use_tc_tiling_on_sc=False),
    )
    def _sc_sum(xt_hbm, tab_hbm, sums_hbm, idx_v, buf_a, buf_b, acc_v, sem_a, sem_b):
        wid = lax.axis_index("s") * NC + lax.axis_index("c")

        def fire(g, buf, sem):
            for k in range(FG):
                pltpu.async_copy(
                    tab_hbm.at[idx_v.at[g * FG + k]], buf.at[k], sem
                )

        def drain(buf, sem):
            for k in range(FG):
                pltpu.make_async_copy(
                    tab_hbm.at[idx_v.at[k]], buf.at[k], sem
                ).wait()

        def accum(buf):
            def row_body(r):
                for c in range(CS):
                    sl = pl.ds(c * LANES, LANES)
                    s = buf[0, r, sl]
                    for k in range(1, FG):
                        s = s + buf[k, r, sl]
                    acc_v[r, sl] = acc_v[r, sl] + s

            pl.loop(0, GB)(row_body)

        def blk_body(blk):
            base = wid * bpw + blk * GB
            pltpu.sync_copy(xt_hbm.at[:, pl.ds(ci * bc + base, GB)], idx_v)

            zero = jnp.zeros((LANES,), jnp.float32)

            def zero_body(r):
                for c in range(CS):
                    acc_v[r, pl.ds(c * LANES, LANES)] = zero

            pl.loop(0, GB)(zero_body)

            fire(0, buf_a, sem_a)
            fire(1, buf_b, sem_b)

            def pair_body(g):
                drain(buf_a, sem_a)
                accum(buf_a)

                @pl.when(g + 2 < NG)
                def _():
                    fire(g + 2, buf_a, sem_a)

                drain(buf_b, sem_b)
                accum(buf_b)

                @pl.when(g + 3 < NG)
                def _():
                    fire(g + 3, buf_b, sem_b)

            pl.loop(0, NG, step=2)(pair_body)
            pltpu.sync_copy(acc_v, sums_hbm.at[pl.ds(base, GB)])

        pl.loop(0, nblk)(blk_body)

    return _sc_sum


def _bcast_body(s_ref, o_ref):
    st = s_ref[...].T
    o_ref[...] = jnp.broadcast_to(st[None, :, :], o_ref.shape)


_BM = 1024


def _bcast_chunk(sums_c, ci, nch, prev):
    bc = B // nch
    blk0 = ci * (bc // _BM)
    out_shape = jax.ShapeDtypeStruct((R, D, B), jnp.float32)
    if prev is None:
        return pl.pallas_call(
            _bcast_body,
            grid=(bc // _BM,),
            in_specs=[pl.BlockSpec((_BM, D), lambda i: (i, 0))],
            out_specs=pl.BlockSpec((R, D, _BM), lambda i: (0, 0, i + blk0)),
            out_shape=out_shape,
        )(sums_c)
    return pl.pallas_call(
        lambda p_ref, s_ref, o_ref: _bcast_body(s_ref, o_ref),
        grid=(bc // _BM,),
        in_specs=[
            pl.BlockSpec(memory_space=pl.ANY),
            pl.BlockSpec((_BM, D), lambda i: (i, 0)),
        ],
        out_specs=pl.BlockSpec((R, D, _BM), lambda i: (0, 0, i + blk0)),
        out_shape=out_shape,
        input_output_aliases={0: 0},
    )(prev, sums_c)


NCH = 1


def kernel(x, tables):
    xt = (x + (jnp.arange(F, dtype=jnp.int32) * V)[None, :]).T
    tab = tables.reshape(F * V, D)
    out3 = None
    for ci in range(NCH):
        sums_c = _make_sc_sum(NCH, ci)(xt, tab)
        out3 = _bcast_chunk(sums_c, ci, NCH, out3)
    return jnp.transpose(out3, (2, 0, 1))

# --- scband reference (transcript-rebuilt; emitter-appended) ---
"""Pipeline reference for scband-static-embedding-18915035971692 (READ-ONLY COPY).

The authoritative reference and input builder live on the scoring server;
editing this copy changes nothing except your own understanding.
"""

import jax, jax.numpy as jnp
import numpy as np

B = 16384
D_IN = 100
D_OUT = 64
VOCAB = 1000
REPEAT = 40


def setup_inputs(seed: int = 0) -> dict:
    key = jax.random.key(seed)
    k1, k2 = jax.random.split(key)
    x = jax.random.randint(k1, (B, D_IN), 0, VOCAB, dtype=jnp.int32)
    # 100 embedding tables of shape [1000, 64], stacked into one [100, 1000, 64] array
    tables = jax.random.normal(k2, (D_IN, VOCAB, D_OUT), dtype=jnp.float32)
    return {"x": x, "tables": tables}


def reference(x, tables):
    # For each feature column i, gather tables[i][x[:, i]] and sum over features.
    # Vectorized per-table gather: tables[i, x[:, i]] for all i.
    feat_idx = jnp.arange(tables.shape[0])[None, :]  # [1, D_IN]
    gathered = tables[feat_idx, x]                   # [B, D_IN, D_OUT]
    out = gathered.sum(axis=1)                       # [B, D_OUT]
    out = out[:, None, :]                            # view(B, 1, D_OUT)
    out = jnp.tile(out, (1, REPEAT, 1))              # repeat(1, 40, 1) -> [B, 40, D_OUT]
    return out

if __name__ == "__main__":
    import jax
    _d = setup_inputs()
    print(jax.jit(kernel)(*tuple(_d.values())))

</pallas_src>

<mosaic_0001>
#map = affine_map<(d0, d1) -> (0, 0)>
module attributes {stable_mosaic.version = 14 : i64} {
  func.func @_sc_sum(%arg0: i32, %arg1: i32, %arg2: memref<100x16384xi32, #tpu.memory_space<hbm>>, %arg3: memref<100000x64xf32, #tpu.memory_space<hbm>>, %arg4: memref<16384x64xf32, #tpu.memory_space<hbm>>, %arg5: memref<100x128xi32, #tpu.memory_space<vmem>>, %arg6: memref<5x128x64xf32, #tpu.memory_space<vmem>>, %arg7: memref<5x128x64xf32, #tpu.memory_space<vmem>>, %arg8: memref<128x64xf32, #tpu.memory_space<vmem>>, %arg9: memref<!tpu.dma_semaphore, #tpu.memory_space<semaphore_mem>>, %arg10: memref<!tpu.dma_semaphore, #tpu.memory_space<semaphore_mem>>) attributes {dimension_semantics = [#tpu.dimension_semantics<core_parallel>, #tpu.dimension_semantics<subcore_parallel>], iteration_bounds = array<i64: 2, 16>, scalar_prefetch = 0 : i64, scratch_operands = 6 : i64, tpu.core_type = #tpu.core_type<sc_vector_subcore>, window_params = [{transform_indices = #map}, {transform_indices = #map}, {transform_indices = #map}]} {
    %mul3A = arith.constant 2 : i32
    %mul3A_0 = arith.muli %arg1, %mul3A : i32
    %add3A = arith.addi %mul3A_0, %arg0 : i32
    %scan3A = arith.constant 0 : i32
    %scan3A_1 = arith.constant 4 : i32
    %scan3A_2 = arith.addi %scan3A, %scan3A_1 : i32
    %scan3A_3 = arith.constant 1 : i32
    scf.for %scan3A_5 = %scan3A to %scan3A_2 step %scan3A_3  : i32 {
      %mul3A_6 = arith.constant 1 : i32
      %mul3A_7 = arith.muli %scan3A_5, %mul3A_6 : i32
      %add3A_8 = arith.constant 0 : i32
      %add3A_9 = arith.addi %add3A_8, %mul3A_7 : i32
      %mul3A_10 = arith.constant 512 : i32
      %mul3A_11 = arith.muli %add3A, %mul3A_10 : i32
      %mul3A_12 = arith.constant 128 : i32
      %mul3A_13 = arith.muli %add3A_9, %mul3A_12 : i32
      %add3A_14 = arith.addi %mul3A_11, %mul3A_13 : i32
      %add3A_15 = arith.constant 0 : i32
      %add3A_16 = arith.addi %add3A_15, %add3A_14 : i32
      "tpu.region"() ({
        %run_scoped3A = tpu.sem_alloc : memref<!tpu.dma_semaphore, #tpu.memory_space<semaphore_mem>>
        %dma_start3A_147 = arith.constant 0 : i32
        %dma_start3A_148 = tpu.memref_slice %arg2[%dma_start3A_147, %add3A_16] : memref<100x16384xi32, #tpu.memory_space<hbm>> -> memref<100x128xi32, #tpu.memory_space<hbm>>
        %dma_start3A_149 = arith.constant 0 : i32
        %dma_start3A_150 = tpu.memref_slice %arg2[%dma_start3A_149, %add3A_16] : memref<100x16384xi32, #tpu.memory_space<hbm>> -> memref<100x128xi32, #tpu.memory_space<hbm>>
        tpu.enqueue_dma source(%dma_start3A_150 : memref<100x128xi32, #tpu.memory_space<hbm>>) target(%arg5 : memref<100x128xi32, #tpu.memory_space<vmem>>) target_semaphore(%run_scoped3A : memref<!tpu.dma_semaphore, #tpu.memory_space<semaphore_mem>>)
        %dma_wait3A = arith.constant 0 : i32
        %dma_wait3A_151 = tpu.memref_slice %arg2[%dma_wait3A, %add3A_16] : memref<100x16384xi32, #tpu.memory_space<hbm>> -> memref<100x128xi32, #tpu.memory_space<hbm>>
        %dma_wait3A_152 = arith.constant 0 : i32
        %dma_wait3A_153 = tpu.memref_slice %arg2[%dma_wait3A_152, %add3A_16] : memref<100x16384xi32, #tpu.memory_space<hbm>> -> memref<100x128xi32, #tpu.memory_space<hbm>>
        tpu.wait_dma2 semaphore(%run_scoped3A : memref<!tpu.dma_semaphore, #tpu.memory_space<semaphore_mem>>) src(%dma_wait3A_153 : memref<100x128xi32, #tpu.memory_space<hbm>>) dst(%arg5 : memref<100x128xi32, #tpu.memory_space<vmem>>)
        tpu.yield
      }) : () -> ()
      %broadcast_in_dim3A = arith.constant 0.000000e+00 : f32
      %broadcast_in_dim3A_17 = vector.broadcast %broadcast_in_dim3A : f32 to vector<16xf32>
      %scan3A_18 = arith.constant 0 : i32
      %scan3A_19 = arith.constant 128 : i32
      %scan3A_20 = arith.addi %scan3A_18, %scan3A_19 : i32
      %scan3A_21 = arith.constant 1 : i32
      scf.for %scan3A_147 = %scan3A_18 to %scan3A_20 step %scan3A_21  : i32 {
        %mul3A_148 = arith.constant 1 : i32
        %mul3A_149 = arith.muli %scan3A_147, %mul3A_148 : i32
        %add3A_150 = arith.constant 0 : i32
        %add3A_151 = arith.addi %add3A_150, %mul3A_149 : i32
        %swap3A = arith.index_cast %add3A_151 : i32 to index
        %swap3A_152 = arith.constant 0 : index
        %swap3A_153 = tpu.vector_load %arg8[%swap3A, %swap3A_152] {strides = array<i32>} : memref<128x64xf32, #tpu.memory_space<vmem>>, vector<1x16xf32>,
        %swap3A_154 = vector.shape_cast %swap3A_153 : vector<1x16xf32> to vector<16xf32>
        %swap3A_155 = vector.shape_cast %broadcast_in_dim3A_17 : vector<16xf32> to vector<1x16xf32>
        tpu.vector_store %arg8[%swap3A, %swap3A_152], %swap3A_155 {strides = array<i32>} : memref<128x64xf32, #tpu.memory_space<vmem>>, vector<1x16xf32>,
        %swap3A_156 = arith.index_cast %add3A_151 : i32 to index
        %swap3A_157 = arith.constant 16 : index
        %swap3A_158 = tpu.vector_load %arg8[%swap3A_156, %swap3A_157] {strides = array<i32>} : memref<128x64xf32, #tpu.memory_space<vmem>>, vector<1x16xf32>,
        %swap3A_159 = vector.shape_cast %swap3A_158 : vector<1x16xf32> to vector<16xf32>
        %swap3A_160 = vector.shape_cast %broadcast_in_dim3A_17 : vector<16xf32> to vector<1x16xf32>
        tpu.vector_store %arg8[%swap3A_156, %swap3A_157], %swap3A_160 {strides = array<i32>} : memref<128x64xf32, #tpu.memory_space<vmem>>, vector<1x16xf32>,
        %swap3A_161 = arith.index_cast %add3A_151 : i32 to index
        %swap3A_162 = arith.constant 32 : index
        %swap3A_163 = tpu.vector_load %arg8[%swap3A_161, %swap3A_162] {strides = array<i32>} : memref<128x64xf32, #tpu.memory_space<vmem>>, vector<1x16xf32>,
        %swap3A_164 = vector.shape_cast %swap3A_163 : vector<1x16xf32> to vector<16xf32>
        %swap3A_165 = vector.shape_cast %broadcast_in_dim3A_17 : vector<16xf32> to vector<1x16xf32>
        tpu.vector_store %arg8[%swap3A_161, %swap3A_162], %swap3A_165 {strides = array<i32>} : memref<128x64xf32, #tpu.memory_space<vmem>>, vector<1x16xf32>,
        %swap3A_166 = arith.index_cast %add3A_151 : i32 to index
        %swap3A_167 = arith.constant 48 : index
        %swap3A_168 = tpu.vector_load %arg8[%swap3A_166, %swap3A_167] {strides = array<i32>} : memref<128x64xf32, #tpu.memory_space<vmem>>, vector<1x16xf32>,
        %swap3A_169 = vector.shape_cast %swap3A_168 : vector<1x16xf32> to vector<16xf32>
        %swap3A_170 = vector.shape_cast %broadcast_in_dim3A_17 : vector<16xf32> to vector<1x16xf32>
        tpu.vector_store %arg8[%swap3A_166, %swap3A_167], %swap3A_170 {strides = array<i32>} : memref<128x64xf32, #tpu.memory_space<vmem>>, vector<1x16xf32>,
      }
      %scan3A_22 = arith.constant 128 : i32
      %dma_start3A = arith.constant 0 : i32
      %dma_start3A_23 = arith.constant 0 : i32
      %dma_start3A_24 = arith.constant 0 : i32
      %dma_start3A_25 = arith.constant 0 : i32
      %dma_start3A_26 = tpu.memref_slice %arg6[%dma_start3A_23, %dma_start3A_24, %dma_start3A_25] : memref<5x128x64xf32, #tpu.memory_space<vmem>> -> memref<1x128x64xf32, #tpu.memory_space<vmem>>
      %dma_start3A_27 = tpu.memref_squeeze %dma_start3A_26 : memref<1x128x64xf32, #tpu.memory_space<vmem>> -> memref<128x64xf32, #tpu.memory_space<vmem>>
      %dma_start3A_28 = arith.constant 0 : i32
      %dma_start3A_29 = tpu.memref_slice %arg5[%dma_start3A, %dma_start3A_28] : memref<100x128xi32, #tpu.memory_space<vmem>> -> memref<1x128xi32, #tpu.memory_space<vmem>>
      %dma_start3A_30 = tpu.memref_squeeze %dma_start3A_29 : memref<1x128xi32, #tpu.memory_space<vmem>> -> memref<128xi32, #tpu.memory_space<vmem>>
      %dma_start3A_31 = arith.constant 0 : i32
      %dma_start3A_32 = arith.constant 0 : i32
      %dma_start3A_33 = tpu.memref_slice %arg3[%dma_start3A_31, %dma_start3A_32] : memref<100000x64xf32, #tpu.memory_space<hbm>> -> memref<100000x64xf32, #tpu.memory_space<hbm>>
      tpu.enqueue_indirect_dma source(%dma_start3A_33 : memref<100000x64xf32, #tpu.memory_space<hbm>>) target(%dma_start3A_27 : memref<128x64xf32, #tpu.memory_space<vmem>>) offsets(%dma_start3A_30 : memref<128xi32, #tpu.memory_space<vmem>>) semaphore(%arg9 : memref<!tpu.dma_semaphore, #tpu.memory_space<semaphore_mem>>)
      %dma_start3A_34 = arith.constant 1 : i32
      %dma_start3A_35 = arith.constant 1 : i32
      %dma_start3A_36 = arith.constant 0 : i32
      %dma_start3A_37 = arith.constant 0 : i32
      %dma_start3A_38 = tpu.memref_slice %arg6[%dma_start3A_35, %dma_start3A_36, %dma_start3A_37] : memref<5x128x64xf32, #tpu.memory_space<vmem>> -> memref<1x128x64xf32, #tpu.memory_space<vmem>>
      %dma_start3A_39 = tpu.memref_squeeze %dma_start3A_38 : memref<1x128x64xf32, #tpu.memory_space<vmem>> -> memref<128x64xf32, #tpu.memory_space<vmem>>
      %dma_start3A_40 = arith.constant 0 : i32
      %dma_start3A_41 = tpu.memref_slice %arg5[%dma_start3A_34, %dma_start3A_40] : memref<100x128xi32, #tpu.memory_space<vmem>> -> memref<1x128xi32, #tpu.memory_space<vmem>>
      %dma_start3A_42 = tpu.memref_squeeze %dma_start3A_41 : memref<1x128xi32, #tpu.memory_space<vmem>> -> memref<128xi32, #tpu.memory_space<vmem>>
      %dma_start3A_43 = arith.constant 0 : i32
      %dma_start3A_44 = arith.constant 0 : i32
      %dma_start3A_45 = tpu.memref_slice %arg3[%dma_start3A_43, %dma_start3A_44] : memref<100000x64xf32, #tpu.memory_space<hbm>> -> memref<100000x64xf32, #tpu.memory_space<hbm>>
      tpu.enqueue_indirect_dma source(%dma_start3A_45 : memref<100000x64xf32, #tpu.memory_space<hbm>>) target(%dma_start3A_39 : memref<128x64xf32, #tpu.memory_space<vmem>>) offsets(%dma_start3A_42 : memref<128xi32, #tpu.memory_space<vmem>>) semaphore(%arg9 : memref<!tpu.dma_semaphore, #tpu.memory_space<semaphore_mem>>)
      %dma_start3A_46 = arith.constant 2 : i32
      %dma_start3A_47 = arith.constant 2 : i32
      %dma_start3A_48 = arith.constant 0 : i32
      %dma_start3A_49 = arith.constant 0 : i32
      %dma_start3A_50 = tpu.memref_slice %arg6[%dma_start3A_47, %dma_start3A_48, %dma_start3A_49] : memref<5x128x64xf32, #tpu.memory_space<vmem>> -> memref<1x128x64xf32, #tpu.memory_space<vmem>>
      %dma_start3A_51 = tpu.memref_squeeze %dma_start3A_50 : memref<1x128x64xf32, #tpu.memory_space<vmem>> -> memref<128x64xf32, #tpu.memory_space<vmem>>
      %dma_start3A_52 = arith.constant 0 : i32
      %dma_start3A_53 = tpu.memref_slice %arg5[%dma_start3A_46, %dma_start3A_52] : memref<100x128xi32, #tpu.memory_space<vmem>> -> memref<1x128xi32, #tpu.memory_space<vmem>>
      %dma_start3A_54 = tpu.memref_squeeze %dma_start3A_53 : memref<1x128xi32, #tpu.memory_space<vmem>> -> memref<128xi32, #tpu.memory_space<vmem>>
      %dma_start3A_55 = arith.constant 0 : i32
      %dma_start3A_56 = arith.constant 0 : i32
      %dma_start3A_57 = tpu.memref_slice %arg3[%dma_start3A_55, %dma_start3A_56] : memref<100000x64xf32, #tpu.memory_space<hbm>> -> memref<100000x64xf32, #tpu.memory_space<hbm>>
      tpu.enqueue_indirect_dma source(%dma_start3A_57 : memref<100000x64xf32, #tpu.memory_space<hbm>>) target(%dma_start3A_51 : memref<128x64xf32, #tpu.memory_space<vmem>>) offsets(%dma_start3A_54 : memref<128xi32, #tpu.memory_space<vmem>>) semaphore(%arg9 : memref<!tpu.dma_semaphore, #tpu.memory_space<semaphore_mem>>)
      %dma_start3A_58 = arith.constant 3 : i32
      %dma_start3A_59 = arith.constant 3 : i32
      %dma_start3A_60 = arith.constant 0 : i32
      %dma_start3A_61 = arith.constant 0 : i32
      %dma_start3A_62 = tpu.memref_slice %arg6[%dma_start3A_59, %dma_start3A_60, %dma_start3A_61] : memref<5x128x64xf32, #tpu.memory_space<vmem>> -> memref<1x128x64xf32, #tpu.memory_space<vmem>>
      %dma_start3A_63 = tpu.memref_squeeze %dma_start3A_62 : memref<1x128x64xf32, #tpu.memory_space<vmem>> -> memref<128x64xf32, #tpu.memory_space<vmem>>
      %dma_start3A_64 = arith.constant 0 : i32
      %dma_start3A_65 = tpu.memref_slice %arg5[%dma_start3A_58, %dma_start3A_64] : memref<100x128xi32, #tpu.memory_space<vmem>> -> memref<1x128xi32, #tpu.memory_space<vmem>>
      %dma_start3A_66 = tpu.memref_squeeze %dma_start3A_65 : memref<1x128xi32, #tpu.memory_space<vmem>> -> memref<128xi32, #tpu.memory_space<vmem>>
      %dma_start3A_67 = arith.constant 0 : i32
      %dma_start3A_68 = arith.constant 0 : i32
      %dma_start3A_69 = tpu.memref_slice %arg3[%dma_start3A_67, %dma_start3A_68] : memref<100000x64xf32, #tpu.memory_space<hbm>> -> memref<100000x64xf32, #tpu.memory_space<hbm>>
      tpu.enqueue_indirect_dma source(%dma_start3A_69 : memref<100000x64xf32, #tpu.memory_space<hbm>>) target(%dma_start3A_63 : memref<128x64xf32, #tpu.memory_space<vmem>>) offsets(%dma_start3A_66 : memref<128xi32, #tpu.memory_space<vmem>>) semaphore(%arg9 : memref<!tpu.dma_semaphore, #tpu.memory_space<semaphore_mem>>)
      %dma_start3A_70 = arith.constant 4 : i32
      %dma_start3A_71 = arith.constant 4 : i32
      %dma_start3A_72 = arith.constant 0 : i32
      %dma_start3A_73 = arith.constant 0 : i32
      %dma_start3A_74 = tpu.memref_slice %arg6[%dma_start3A_71, %dma_start3A_72, %dma_start3A_73] : memref<5x128x64xf32, #tpu.memory_space<vmem>> -> memref<1x128x64xf32, #tpu.memory_space<vmem>>
      %dma_start3A_75 = tpu.memref_squeeze %dma_start3A_74 : memref<1x128x64xf32, #tpu.memory_space<vmem>> -> memref<128x64xf32, #tpu.memory_space<vmem>>
      %dma_start3A_76 = arith.constant 0 : i32
      %dma_start3A_77 = tpu.memref_slice %arg5[%dma_start3A_70, %dma_start3A_76] : memref<100x128xi32, #tpu.memory_space<vmem>> -> memref<1x128xi32, #tpu.memory_space<vmem>>
      %dma_start3A_78 = tpu.memref_squeeze %dma_start3A_77 : memref<1x128xi32, #tpu.memory_space<vmem>> -> memref<128xi32, #tpu.memory_space<vmem>>
      %dma_start3A_79 = arith.constant 0 : i32
      %dma_start3A_80 = arith.constant 0 : i32
      %dma_start3A_81 = tpu.memref_slice %arg3[%dma_start3A_79, %dma_start3A_80] : memref<100000x64xf32, #tpu.memory_space<hbm>> -> memref<100000x64xf32, #tpu.memory_space<hbm>>
      tpu.enqueue_indirect_dma source(%dma_start3A_81 : memref<100000x64xf32, #tpu.memory_space<hbm>>) target(%dma_start3A_75 : memref<128x64xf32, #tpu.memory_space<vmem>>) offsets(%dma_start3A_78 : memref<128xi32, #tpu.memory_space<vmem>>) semaphore(%arg9 : memref<!tpu.dma_semaphore, #tpu.memory_space<semaphore_mem>>)
      %dma_start3A_82 = arith.constant 5 : i32
      %dma_start3A_83 = arith.constant 0 : i32
      %dma_start3A_84 = arith.constant 0 : i32
      %dma_start3A_85 = arith.constant 0 : i32
      %dma_start3A_86 = tpu.memref_slice %arg7[%dma_start3A_83, %dma_start3A_84, %dma_start3A_85] : memref<5x128x64xf32, #tpu.memory_space<vmem>> -> memref<1x128x64xf32, #tpu.memory_space<vmem>>
      %dma_start3A_87 = tpu.memref_squeeze %dma_start3A_86 : memref<1x128x64xf32, #tpu.memory_space<vmem>> -> memref<128x64xf32, #tpu.memory_space<vmem>>
      %dma_start3A_88 = arith.constant 0 : i32
      %dma_start3A_89 = tpu.memref_slice %arg5[%dma_start3A_82, %dma_start3A_88] : memref<100x128xi32, #tpu.memory_space<vmem>> -> memref<1x128xi32, #tpu.memory_space<vmem>>
      %dma_start3A_90 = tpu.memref_squeeze %dma_start3A_89 : memref<1x128xi32, #tpu.memory_space<vmem>> -> memref<128xi32, #tpu.memory_space<vmem>>
      %dma_start3A_91 = arith.constant 0 : i32
      %dma_start3A_92 = arith.constant 0 : i32
      %dma_start3A_93 = tpu.memref_slice %arg3[%dma_start3A_91, %dma_start3A_92] : memref<100000x64xf32, #tpu.memory_space<hbm>> -> memref<100000x64xf32, #tpu.memory_space<hbm>>
      tpu.enqueue_indirect_dma source(%dma_start3A_93 : memref<100000x64xf32, #tpu.memory_space<hbm>>) target(%dma_start3A_87 : memref<128x64xf32, #tpu.memory_space<vmem>>) offsets(%dma_start3A_90 : memref<128xi32, #tpu.memory_space<vmem>>) semaphore(%arg10 : memref<!tpu.dma_semaphore, #tpu.memory_space<semaphore_mem>>)
      %dma_start3A_94 = arith.constant 6 : i32
      %dma_start3A_95 = arith.constant 1 : i32
      %dma_start3A_96 = arith.constant 0 : i32
      %dma_start3A_97 = arith.constant 0 : i32
      %dma_start3A_98 = tpu.memref_slice %arg7[%dma_start3A_95, %dma_start3A_96, %dma_start3A_97] : memref<5x128x64xf32, #tpu.memory_space<vmem>> -> memref<1x128x64xf32, #tpu.memory_space<vmem>>
      %dma_start3A_99 = tpu.memref_squeeze %dma_start3A_98 : memref<1x128x64xf32, #tpu.memory_space<vmem>> -> memref<128x64xf32, #tpu.memory_space<vmem>>
      %dma_start3A_100 = arith.constant 0 : i32
      %dma_start3A_101 = tpu.memref_slice %arg5[%dma_start3A_94, %dma_start3A_100] : memref<100x128xi32, #tpu.memory_space<vmem>> -> memref<1x128xi32, #tpu.memory_space<vmem>>
      %dma_start3A_102 = tpu.memref_squeeze %dma_start3A_101 : memref<1x128xi32, #tpu.memory_space<vmem>> -> memref<128xi32, #tpu.memory_space<vmem>>
      %dma_start3A_103 = arith.constant 0 : i32
      %dma_start3A_104 = arith.constant 0 : i32
      %dma_start3A_105 = tpu.memref_slice %arg3[%dma_start3A_103, %dma_start3A_104] : memref<100000x64xf32, #tpu.memory_space<hbm>> -> memref<100000x64xf32, #tpu.memory_space<hbm>>
      tpu.enqueue_indirect_dma source(%dma_start3A_105 : memref<100000x64xf32, #tpu.memory_space<hbm>>) target(%dma_start3A_99 : memref<128x64xf32, #tpu.memory_space<vmem>>) offsets(%dma_start3A_102 : memref<128xi32, #tpu.memory_space<vmem>>) semaphore(%arg10 : memref<!tpu.dma_semaphore, #tpu.memory_space<semaphore_mem>>)
      %dma_start3A_106 = arith.constant 7 : i32
      %dma_start3A_107 = arith.constant 2 : i32
      %dma_start3A_108 = arith.constant 0 : i32
      %dma_start3A_109 = arith.constant 0 : i32
      %dma_start3A_110 = tpu.memref_slice %arg7[%dma_start3A_107, %dma_start3A_108, %dma_start3A_109] : memref<5x128x64xf32, #tpu.memory_space<vmem>> -> memref<1x128x64xf32, #tpu.memory_space<vmem>>
      %dma_start3A_111 = tpu.memref_squeeze %dma_start3A_110 : memref<1x128x64xf32, #tpu.memory_space<vmem>> -> memref<128x64xf32, #tpu.memory_space<vmem>>
      %dma_start3A_112 = arith.constant 0 : i32
      %dma_start3A_113 = tpu.memref_slice %arg5[%dma_start3A_106, %dma_start3A_112] : memref<100x128xi32, #tpu.memory_space<vmem>> -> memref<1x128xi32, #tpu.memory_space<vmem>>
      %dma_start3A_114 = tpu.memref_squeeze %dma_start3A_113 : memref<1x128xi32, #tpu.memory_space<vmem>> -> memref<128xi32, #tpu.memory_space<vmem>>
      %dma_start3A_115 = arith.constant 0 : i32
      %dma_start3A_116 = arith.constant 0 : i32
      %dma_start3A_117 = tpu.memref_slice %arg3[%dma_start3A_115, %dma_start3A_116] : memref<100000x64xf32, #tpu.memory_space<hbm>> -> memref<100000x64xf32, #tpu.memory_space<hbm>>
      tpu.enqueue_indirect_dma source(%dma_start3A_117 : memref<100000x64xf32, #tpu.memory_space<hbm>>) target(%dma_start3A_111 : memref<128x64xf32, #tpu.memory_space<vmem>>) offsets(%dma_start3A_114 : memref<128xi32, #tpu.memory_space<vmem>>) semaphore(%arg10 : memref<!tpu.dma_semaphore, #tpu.memory_space<semaphore_mem>>)
      %dma_start3A_118 = arith.constant 8 : i32
      %dma_start3A_119 = arith.constant 3 : i32
      %dma_start3A_120 = arith.constant 0 : i32
      %dma_start3A_121 = arith.constant 0 : i32
      %dma_start3A_122 = tpu.memref_slice %arg7[%dma_start3A_119, %dma_start3A_120, %dma_start3A_121] : memref<5x128x64xf32, #tpu.memory_space<vmem>> -> memref<1x128x64xf32, #tpu.memory_space<vmem>>
      %dma_start3A_123 = tpu.memref_squeeze %dma_start3A_122 : memref<1x128x64xf32, #tpu.memory_space<vmem>> -> memref<128x64xf32, #tpu.memory_space<vmem>>
      %dma_start3A_124 = arith.constant 0 : i32
      %dma_start3A_125 = tpu.memref_slice %arg5[%dma_start3A_118, %dma_start3A_124] : memref<100x128xi32, #tpu.memory_space<vmem>> -> memref<1x128xi32, #tpu.memory_space<vmem>>
      %dma_start3A_126 = tpu.memref_squeeze %dma_start3A_125 : memref<1x128xi32, #tpu.memory_space<vmem>> -> memref<128xi32, #tpu.memory_space<vmem>>
      %dma_start3A_127 = arith.constant 0 : i32
      %dma_start3A_128 = arith.constant 0 : i32
      %dma_start3A_129 = tpu.memref_slice %arg3[%dma_start3A_127, %dma_start3A_128] : memref<100000x64xf32, #tpu.memory_space<hbm>> -> memref<100000x64xf32, #tpu.memory_space<hbm>>
      tpu.enqueue_indirect_dma source(%dma_start3A_129 : memref<100000x64xf32, #tpu.memory_space<hbm>>) target(%dma_start3A_123 : memref<128x64xf32, #tpu.memory_space<vmem>>) offsets(%dma_start3A_126 : memref<128xi32, #tpu.memory_space<vmem>>) semaphore(%arg10 : memref<!tpu.dma_semaphore, #tpu.memory_space<semaphore_mem>>)
      %dma_start3A_130 = arith.constant 9 : i32
      %dma_start3A_131 = arith.constant 4 : i32
      %dma_start3A_132 = arith.constant 0 : i32
      %dma_start3A_133 = arith.constant 0 : i32
      %dma_start3A_134 = tpu.memref_slice %arg7[%dma_start3A_131, %dma_start3A_132, %dma_start3A_133] : memref<5x128x64xf32, #tpu.memory_space<vmem>> -> memref<1x128x64xf32, #tpu.memory_space<vmem>>
      %dma_start3A_135 = tpu.memref_squeeze %dma_start3A_134 : memref<1x128x64xf32, #tpu.memory_space<vmem>> -> memref<128x64xf32, #tpu.memory_space<vmem>>
      %dma_start3A_136 = arith.constant 0 : i32
      %dma_start3A_137 = tpu.memref_slice %arg5[%dma_start3A_130, %dma_start3A_136] : memref<100x128xi32, #tpu.memory_space<vmem>> -> memref<1x128xi32, #tpu.memory_space<vmem>>
      %dma_start3A_138 = tpu.memref_squeeze %dma_start3A_137 : memref<1x128xi32, #tpu.memory_space<vmem>> -> memref<128xi32, #tpu.memory_space<vmem>>
      %dma_start3A_139 = arith.constant 0 : i32
      %dma_start3A_140 = arith.constant 0 : i32
      %dma_start3A_141 = tpu.memref_slice %arg3[%dma_start3A_139, %dma_start3A_140] : memref<100000x64xf32, #tpu.memory_space<hbm>> -> memref<100000x64xf32, #tpu.memory_space<hbm>>
      tpu.enqueue_indirect_dma source(%dma_start3A_141 : memref<100000x64xf32, #tpu.memory_space<hbm>>) target(%dma_start3A_135 : memref<128x64xf32, #tpu.memory_space<vmem>>) offsets(%dma_start3A_138 : memref<128xi32, #tpu.memory_space<vmem>>) semaphore(%arg10 : memref<!tpu.dma_semaphore, #tpu.memory_space<semaphore_mem>>)
      %scan3A_142 = arith.constant 0 : i32
      %scan3A_143 = arith.constant 10 : i32
      %scan3A_144 = arith.addi %scan3A_142, %scan3A_143 : i32
      %scan3A_145 = arith.constant 1 : i32
      scf.for %scan3A_147 = %scan3A_142 to %scan3A_144 step %scan3A_145  : i32 {
        %mul3A_148 = arith.constant 2 : i32
        %mul3A_149 = arith.muli %scan3A_147, %mul3A_148 : i32
        %add3A_150 = arith.constant 0 : i32
        %add3A_151 = arith.addi %add3A_150, %mul3A_149 : i32
        %dma_wait3A = arith.constant 0 : i32
        %dma_wait3A_152 = arith.constant 0 : i32
        %dma_wait3A_153 = arith.constant 0 : i32
        %dma_wait3A_154 = arith.constant 0 : i32
        %dma_wait3A_155 = tpu.memref_slice %arg6[%dma_wait3A_152, %dma_wait3A_153, %dma_wait3A_154] : memref<5x128x64xf32, #tpu.memory_space<vmem>> -> memref<1x128x64xf32, #tpu.memory_space<vmem>>
        %dma_wait3A_156 = tpu.memref_squeeze %dma_wait3A_155 : memref<1x128x64xf32, #tpu.memory_space<vmem>> -> memref<128x64xf32, #tpu.memory_space<vmem>>
        %dma_wait3A_157 = arith.constant 0 : i32
        %dma_wait3A_158 = tpu.memref_slice %arg5[%dma_wait3A, %dma_wait3A_157] : memref<100x128xi32, #tpu.memory_space<vmem>> -> memref<1x128xi32, #tpu.memory_space<vmem>>
        %dma_wait3A_159 = tpu.memref_squeeze %dma_wait3A_158 : memref<1x128xi32, #tpu.memory_space<vmem>> -> memref<128xi32, #tpu.memory_space<vmem>>
        %dma_wait3A_160 = arith.constant 0 : i32
        %dma_wait3A_161 = arith.constant 0 : i32
        %dma_wait3A_162 = tpu.memref_slice %arg3[%dma_wait3A_160, %dma_wait3A_161] : memref<100000x64xf32, #tpu.memory_space<hbm>> -> memref<100000x64xf32, #tpu.memory_space<hbm>>
        tpu.wait_indirect_dma semaphore(%arg9 : memref<!tpu.dma_semaphore, #tpu.memory_space<semaphore_mem>>) src(%dma_wait3A_162 : memref<100000x64xf32, #tpu.memory_space<hbm>>) dst(%dma_wait3A_156 : memref<128x64xf32, #tpu.memory_space<vmem>>)
        %dma_wait3A_163 = arith.constant 1 : i32
        %dma_wait3A_164 = arith.constant 1 : i32
        %dma_wait3A_165 = arith.constant 0 : i32
        %dma_wait3A_166 = arith.constant 0 : i32
        %dma_wait3A_167 = tpu.memref_slice %arg6[%dma_wait3A_164, %dma_wait3A_165, %dma_wait3A_166] : memref<5x128x64xf32, #tpu.memory_space<vmem>> -> memref<1x128x64xf32, #tpu.memory_space<vmem>>
        %dma_wait3A_168 = tpu.memref_squeeze %dma_wait3A_167 : memref<1x128x64xf32, #tpu.memory_space<vmem>> -> memref<128x64xf32, #tpu.memory_space<vmem>>
        %dma_wait3A_169 = arith.constant 0 : i32
        %dma_wait3A_170 = tpu.memref_slice %arg5[%dma_wait3A_163, %dma_wait3A_169] : memref<100x128xi32, #tpu.memory_space<vmem>> -> memref<1x128xi32, #tpu.memory_space<vmem>>
        %dma_wait3A_171 = tpu.memref_squeeze %dma_wait3A_170 : memref<1x128xi32, #tpu.memory_space<vmem>> -> memref<128xi32, #tpu.memory_space<vmem>>
        %dma_wait3A_172 = arith.constant 0 : i32
        %dma_wait3A_173 = arith.constant 0 : i32
        %dma_wait3A_174 = tpu.memref_slice %arg3[%dma_wait3A_172, %dma_wait3A_173] : memref<100000x64xf32, #tpu.memory_space<hbm>> -> memref<100000x64xf32, #tpu.memory_space<hbm>>
        tpu.wait_indirect_dma semaphore(%arg9 : memref<!tpu.dma_semaphore, #tpu.memory_space<semaphore_mem>>) src(%dma_wait3A_174 : memref<100000x64xf32, #tpu.memory_space<hbm>>) dst(%dma_wait3A_168 : memref<128x64xf32, #tpu.memory_space<vmem>>)
        %dma_wait3A_175 = arith.constant 2 : i32
        %dma_wait3A_176 = arith.constant 2 : i32
        %dma_wait3A_177 = arith.constant 0 : i32
        %dma_wait3A_178 = arith.constant 0 : i32
        %dma_wait3A_179 = tpu.memref_slice %arg6[%dma_wait3A_176, %dma_wait3A_177, %dma_wait3A_178] : memref<5x128x64xf32, #tpu.memory_space<vmem>> -> memref<1x128x64xf32, #tpu.memory_space<vmem>>
        %dma_wait3A_180 = tpu.memref_squeeze %dma_wait3A_179 : memref<1x128x64xf32, #tpu.memory_space<vmem>> -> memref<128x64xf32, #tpu.memory_space<vmem>>
        %dma_wait3A_181 = arith.constant 0 : i32
        %dma_wait3A_182 = tpu.memref_slice %arg5[%dma_wait3A_175, %dma_wait3A_181] : memref<100x128xi32, #tpu.memory_space<vmem>> -> memref<1x128xi32, #tpu.memory_space<vmem>>
        %dma_wait3A_183 = tpu.memref_squeeze %dma_wait3A_182 : memref<1x128xi32, #tpu.memory_space<vmem>> -> memref<128xi32, #tpu.memory_space<vmem>>
        %dma_wait3A_184 = arith.constant 0 : i32
        %dma_wait3A_185 = arith.constant 0 : i32
        %dma_wait3A_186 = tpu.memref_slice %arg3[%dma_wait3A_184, %dma_wait3A_185] : memref<100000x64xf32, #tpu.memory_space<hbm>> -> memref<100000x64xf32, #tpu.memory_space<hbm>>
        tpu.wait_indirect_dma semaphore(%arg9 : memref<!tpu.dma_semaphore, #tpu.memory_space<semaphore_mem>>) src(%dma_wait3A_186 : memref<100000x64xf32, #tpu.memory_space<hbm>>) dst(%dma_wait3A_180 : memref<128x64xf32, #tpu.memory_space<vmem>>)
        %dma_wait3A_187 = arith.constant 3 : i32
        %dma_wait3A_188 = arith.constant 3 : i32
        %dma_wait3A_189 = arith.constant 0 : i32
        %dma_wait3A_190 = arith.constant 0 : i32
        %dma_wait3A_191 = tpu.memref_slice %arg6[%dma_wait3A_188, %dma_wait3A_189, %dma_wait3A_190] : memref<5x128x64xf32, #tpu.memory_space<vmem>> -> memref<1x128x64xf32, #tpu.memory_space<vmem>>
        %dma_wait3A_192 = tpu.memref_squeeze %dma_wait3A_191 : memref<1x128x64xf32, #tpu.memory_space<vmem>> -> memref<128x64xf32, #tpu.memory_space<vmem>>
        %dma_wait3A_193 = arith.constant 0 : i32
        %dma_wait3A_194 = tpu.memref_slice %arg5[%dma_wait3A_187, %dma_wait3A_193] : memref<100x128xi32, #tpu.memory_space<vmem>> -> memref<1x128xi32, #tpu.memory_space<vmem>>
        %dma_wait3A_195 = tpu.memref_squeeze %dma_wait3A_194 : memref<1x128xi32, #tpu.memory_space<vmem>> -> memref<128xi32, #tpu.memory_space<vmem>>
        %dma_wait3A_196 = arith.constant 0 : i32
        %dma_wait3A_197 = arith.constant 0 : i32
        %dma_wait3A_198 = tpu.memref_slice %arg3[%dma_wait3A_196, %dma_wait3A_197] : memref<100000x64xf32, #tpu.memory_space<hbm>> -> memref<100000x64xf32, #tpu.memory_space<hbm>>
        tpu.wait_indirect_dma semaphore(%arg9 : memref<!tpu.dma_semaphore, #tpu.memory_space<semaphore_mem>>) src(%dma_wait3A_198 : memref<100000x64xf32, #tpu.memory_space<hbm>>) dst(%dma_wait3A_192 : memref<128x64xf32, #tpu.memory_space<vmem>>)
        %dma_wait3A_199 = arith.constant 4 : i32
        %dma_wait3A_200 = arith.constant 4 : i32
        %dma_wait3A_201 = arith.constant 0 : i32
        %dma_wait3A_202 = arith.constant 0 : i32
        %dma_wait3A_203 = tpu.memref_slice %arg6[%dma_wait3A_200, %dma_wait3A_201, %dma_wait3A_202] : memref<5x128x64xf32, #tpu.memory_space<vmem>> -> memref<1x128x64xf32, #tpu.memory_space<vmem>>
        %dma_wait3A_204 = tpu.memref_squeeze %dma_wait3A_203 : memref<1x128x64xf32, #tpu.memory_space<vmem>> -> memref<128x64xf32, #tpu.memory_space<vmem>>
        %dma_wait3A_205 = arith.constant 0 : i32
        %dma_wait3A_206 = tpu.memref_slice %arg5[%dma_wait3A_199, %dma_wait3A_205] : memref<100x128xi32, #tpu.memory_space<vmem>> -> memref<1x128xi32, #tpu.memory_space<vmem>>
        %dma_wait3A_207 = tpu.memref_squeeze %dma_wait3A_206 : memref<1x128xi32, #tpu.memory_space<vmem>> -> memref<128xi32, #tpu.memory_space<vmem>>
        %dma_wait3A_208 = arith.constant 0 : i32
        %dma_wait3A_209 = arith.constant 0 : i32
        %dma_wait3A_210 = tpu.memref_slice %arg3[%dma_wait3A_208, %dma_wait3A_209] : memref<100000x64xf32, #tpu.memory_space<hbm>> -> memref<100000x64xf32, #tpu.memory_space<hbm>>
        tpu.wait_indirect_dma semaphore(%arg9 : memref<!tpu.dma_semaphore, #tpu.memory_space<semaphore_mem>>) src(%dma_wait3A_210 : memref<100000x64xf32, #tpu.memory_space<hbm>>) dst(%dma_wait3A_204 : memref<128x64xf32, #tpu.memory_space<vmem>>)
        %scan3A_211 = arith.constant 0 : i32
        %scan3A_212 = arith.constant 128 : i32
        %scan3A_213 = arith.addi %scan3A_211, %scan3A_212 : i32
        %scan3A_214 = arith.constant 1 : i32
        scf.for %scan3A_292 = %scan3A_211 to %scan3A_213 step %scan3A_214  : i32 {
          %mul3A_293 = arith.constant 1 : i32
          %mul3A_294 = arith.muli %scan3A_292, %mul3A_293 : i32
          %add3A_295 = arith.constant 0 : i32
          %add3A_296 = arith.addi %add3A_295, %mul3A_294 : i32
          %get3A = arith.constant 0 : i32
          %get3A_297 = arith.index_cast %get3A : i32 to index
          %get3A_298 = arith.index_cast %add3A_296 : i32 to index
          %get3A_299 = arith.constant 0 : index
          %get3A_300 = tpu.vector_load %arg6[%get3A_297, %get3A_298, %get3A_299] {strides = array<i32>} : memref<5x128x64xf32, #tpu.memory_space<vmem>>, vector<1x1x16xf32>,
          %get3A_301 = vector.shape_cast %get3A_300 : vector<1x1x16xf32> to vector<16xf32>
          %get3A_302 = arith.constant 1 : i32
          %get3A_303 = arith.index_cast %get3A_302 : i32 to index
          %get3A_304 = arith.index_cast %add3A_296 : i32 to index
          %get3A_305 = arith.constant 0 : index
          %get3A_306 = tpu.vector_load %arg6[%get3A_303, %get3A_304, %get3A_305] {strides = array<i32>} : memref<5x128x64xf32, #tpu.memory_space<vmem>>, vector<1x1x16xf32>,
          %get3A_307 = vector.shape_cast %get3A_306 : vector<1x1x16xf32> to vector<16xf32>
          %add3A_308 = arith.addf %get3A_301, %get3A_307 : vector<16xf32>
          %get3A_309 = arith.constant 2 : i32
          %get3A_310 = arith.index_cast %get3A_309 : i32 to index
          %get3A_311 = arith.index_cast %add3A_296 : i32 to index
          %get3A_312 = arith.constant 0 : index
          %get3A_313 = tpu.vector_load %arg6[%get3A_310, %get3A_311, %get3A_312] {strides = array<i32>} : memref<5x128x64xf32, #tpu.memory_space<vmem>>, vector<1x1x16xf32>,
          %get3A_314 = vector.shape_cast %get3A_313 : vector<1x1x16xf32> to vector<16xf32>
          %add3A_315 = arith.addf %add3A_308, %get3A_314 : vector<16xf32>
          %get3A_316 = arith.constant 3 : i32
          %get3A_317 = arith.index_cast %get3A_316 : i32 to index
          %get3A_318 = arith.index_cast %add3A_296 : i32 to index
          %get3A_319 = arith.constant 0 : index
          %get3A_320 = tpu.vector_load %arg6[%get3A_317, %get3A_318, %get3A_319] {strides = array<i32>} : memref<5x128x64xf32, #tpu.memory_space<vmem>>, vector<1x1x16xf32>,
          %get3A_321 = vector.shape_cast %get3A_320 : vector<1x1x16xf32> to vector<16xf32>
          %add3A_322 = arith.addf %add3A_315, %get3A_321 : vector<16xf32>
          %get3A_323 = arith.constant 4 : i32
          %get3A_324 = arith.index_cast %get3A_323 : i32 to index
          %get3A_325 = arith.index_cast %add3A_296 : i32 to index
          %get3A_326 = arith.constant 0 : index
          %get3A_327 = tpu.vector_load %arg6[%get3A_324, %get3A_325, %get3A_326] {strides = array<i32>} : memref<5x128x64xf32, #tpu.memory_space<vmem>>, vector<1x1x16xf32>,
          %get3A_328 = vector.shape_cast %get3A_327 : vector<1x1x16xf32> to vector<16xf32>
          %add3A_329 = arith.addf %add3A_322, %get3A_328 : vector<16xf32>
          %get3A_330 = arith.index_cast %add3A_296 : i32 to index
          %get3A_331 = arith.constant 0 : index
          %get3A_332 = tpu.vector_load %arg8[%get3A_330, %get3A_331] {strides = array<i32>} : memref<128x64xf32, #tpu.memory_space<vmem>>, vector<1x16xf32>,
          %get3A_333 = vector.shape_cast %get3A_332 : vector<1x16xf32> to vector<16xf32>
          %add3A_334 = arith.addf %get3A_333, %add3A_329 : vector<16xf32>
          %swap3A = arith.index_cast %add3A_296 : i32 to index
          %swap3A_335 = arith.constant 0 : index
          %swap3A_336 = tpu.vector_load %arg8[%swap3A, %swap3A_335] {strides = array<i32>} : memref<128x64xf32, #tpu.memory_space<vmem>>, vector<1x16xf32>,
          %swap3A_337 = vector.shape_cast %swap3A_336 : vector<1x16xf32> to vector<16xf32>
          %swap3A_338 = vector.shape_cast %add3A_334 : vector<16xf32> to vector<1x16xf32>
          tpu.vector_store %arg8[%swap3A, %swap3A_335], %swap3A_338 {strides = array<i32>} : memref<128x64xf32, #tpu.memory_space<vmem>>, vector<1x16xf32>,
          %get3A_339 = arith.constant 0 : i32
          %get3A_340 = arith.index_cast %get3A_339 : i32 to index
          %get3A_341 = arith.index_cast %add3A_296 : i32 to index
          %get3A_342 = arith.constant 16 : index
          %get3A_343 = tpu.vector_load %arg6[%get3A_340, %get3A_341, %get3A_342] {strides = array<i32>} : memref<5x128x64xf32, #tpu.memory_space<vmem>>, vector<1x1x16xf32>,
          %get3A_344 = vector.shape_cast %get3A_343 : vector<1x1x16xf32> to vector<16xf32>
          %get3A_345 = arith.constant 1 : i32
          %get3A_346 = arith.index_cast %get3A_345 : i32 to index
          %get3A_347 = arith.index_cast %add3A_296 : i32 to index
          %get3A_348 = arith.constant 16 : index
          %get3A_349 = tpu.vector_load %arg6[%get3A_346, %get3A_347, %get3A_348] {strides = array<i32>} : memref<5x128x64xf32, #tpu.memory_space<vmem>>, vector<1x1x16xf32>,
          %get3A_350 = vector.shape_cast %get3A_349 : vector<1x1x16xf32> to vector<16xf32>
          %add3A_351 = arith.addf %get3A_344, %get3A_350 : vector<16xf32>
          %get3A_352 = arith.constant 2 : i32
          %get3A_353 = arith.index_cast %get3A_352 : i32 to index
          %get3A_354 = arith.index_cast %add3A_296 : i32 to index
          %get3A_355 = arith.constant 16 : index
          %get3A_356 = tpu.vector_load %arg6[%get3A_353, %get3A_354, %get3A_355] {strides = array<i32>} : memref<5x128x64xf32, #tpu.memory_space<vmem>>, vector<1x1x16xf32>,
          %get3A_357 = vector.shape_cast %get3A_356 : vector<1x1x16xf32> to vector<16xf32>
          %add3A_358 = arith.addf %add3A_351, %get3A_357 : vector<16xf32>
          %get3A_359 = arith.constant 3 : i32
          %get3A_360 = arith.index_cast %get3A_359 : i32 to index
          %get3A_361 = arith.index_cast %add3A_296 : i32 to index
          %get3A_362 = arith.constant 16 : index
          %get3A_363 = tpu.vector_load %arg6[%get3A_360, %get3A_361, %get3A_362] {strides = array<i32>} : memref<5x128x64xf32, #tpu.memory_space<vmem>>, vector<1x1x16xf32>,
          %get3A_364 = vector.shape_cast %get3A_363 : vector<1x1x16xf32> to vector<16xf32>
          %add3A_365 = arith.addf %add3A_358, %get3A_364 : vector<16xf32>
          %get3A_366 = arith.constant 4 : i32
          %get3A_367 = arith.index_cast %get3A_366 : i32 to index
          %get3A_368 = arith.index_cast %add3A_296 : i32 to index
          %get3A_369 = arith.constant 16 : index
          %get3A_370 = tpu.vector_load %arg6[%get3A_367, %get3A_368, %get3A_369] {strides = array<i32>} : memref<5x128x64xf32, #tpu.memory_space<vmem>>, vector<1x1x16xf32>,
          %get3A_371 = vector.shape_cast %get3A_370 : vector<1x1x16xf32> to vector<16xf32>
          %add3A_372 = arith.addf %add3A_365, %get3A_371 : vector<16xf32>
          %get3A_373 = arith.index_cast %add3A_296 : i32 to index
          %get3A_374 = arith.constant 16 : index
          %get3A_375 = tpu.vector_load %arg8[%get3A_373, %get3A_374] {strides = array<i32>} : memref<128x64xf32, #tpu.memory_space<vmem>>, vector<1x16xf32>,
          %get3A_376 = vector.shape_cast %get3A_375 : vector<1x16xf32> to vector<16xf32>
          %add3A_377 = arith.addf %get3A_376, %add3A_372 : vector<16xf32>
          %swap3A_378 = arith.index_cast %add3A_296 : i32 to index
          %swap3A_379 = arith.constant 16 : index
          %swap3A_380 = tpu.vector_load %arg8[%swap3A_378, %swap3A_379] {strides = array<i32>} : memref<128x64xf32, #tpu.memory_space<vmem>>, vector<1x16xf32>,
          %swap3A_381 = vector.shape_cast %swap3A_380 : vector<1x16xf32> to vector<16xf32>
          %swap3A_382 = vector.shape_cast %add3A_377 : vector<16xf32> to vector<1x16xf32>
          tpu.vector_store %arg8[%swap3A_378, %swap3A_379], %swap3A_382 {strides = array<i32>} : memref<128x64xf32, #tpu.memory_space<vmem>>, vector<1x16xf32>,
          %get3A_383 = arith.constant 0 : i32
          %get3A_384 = arith.index_cast %get3A_383 : i32 to index
          %get3A_385 = arith.index_cast %add3A_296 : i32 to index
          %get3A_386 = arith.constant 32 : index
          %get3A_387 = tpu.vector_load %arg6[%get3A_384, %get3A_385, %get3A_386] {strides = array<i32>} : memref<5x128x64xf32, #tpu.memory_space<vmem>>, vector<1x1x16xf32>,
          %get3A_388 = vector.shape_cast %get3A_387 : vector<1x1x16xf32> to vector<16xf32>
          %get3A_389 = arith.constant 1 : i32
          %get3A_390 = arith.index_cast %get3A_389 : i32 to index
          %get3A_391 = arith.index_cast %add3A_296 : i32 to index
          %get3A_392 = arith.constant 32 : index
          %get3A_393 = tpu.vector_load %arg6[%get3A_390, %get3A_391, %get3A_392] {strides = array<i32>} : memref<5x128x64xf32, #tpu.memory_space<vmem>>, vector<1x1x16xf32>,
          %get3A_394 = vector.shape_cast %get3A_393 : vector<1x1x16xf32> to vector<16xf32>
          %add3A_395 = arith.addf %get3A_388, %get3A_394 : vector<16xf32>
          %get3A_396 = arith.constant 2 : i32
          %get3A_397 = arith.index_cast %get3A_396 : i32 to index
          %get3A_398 = arith.index_cast %add3A_296 : i32 to index
          %get3A_399 = arith.constant 32 : index
          %get3A_400 = tpu.vector_load %arg6[%get3A_397, %get3A_398, %get3A_399] {strides = array<i32>} : memref<5x128x64xf32, #tpu.memory_space<vmem>>, vector<1x1x16xf32>,
          %get3A_401 = vector.shape_cast %get3A_400 : vector<1x1x16xf32> to vector<16xf32>
          %add3A_402 = arith.addf %add3A_395, %get3A_401 : vector<16xf32>
          %get3A_403 = arith.constant 3 : i32
          %get3A_404 = arith.index_cast %get3A_403 : i32 to index
          %get3A_405 = arith.index_cast %add3A_296 : i32 to index
          %get3A_406 = arith.constant 32 : index
          %get3A_407 = tpu.vector_load %arg6[%get3A_404, %get3A_405, %get3A_406] {strides = array<i32>} : memref<5x128x64xf32, #tpu.memory_space<vmem>>, vector<1x1x16xf32>,
          %get3A_408 = vector.shape_cast %get3A_407 : vector<1x1x16xf32> to vector<16xf32>
          %add3A_409 = arith.addf %add3A_402, %get3A_408 : vector<16xf32>
          %get3A_410 = arith.constant 4 : i32
          %get3A_411 = arith.index_cast %get3A_410 : i32 to index
          %get3A_412 = arith.index_cast %add3A_296 : i32 to index
          %get3A_413 = arith.constant 32 : index
          %get3A_414 = tpu.vector_load %arg6[%get3A_411, %get3A_412, %get3A_413] {strides = array<i32>} : memref<5x128x64xf32, #tpu.memory_space<vmem>>, vector<1x1x16xf32>,
          %get3A_415 = vector.shape_cast %get3A_414 : vector<1x1x16xf32> to vector<16xf32>
          %add3A_416 = arith.addf %add3A_409, %get3A_415 : vector<16xf32>
          %get3A_417 = arith.index_cast %add3A_296 : i32 to index
          %get3A_418 = arith.constant 32 : index
          %get3A_419 = tpu.vector_load %arg8[%get3A_417, %get3A_418] {strides = array<i32>} : memref<128x64xf32, #tpu.memory_space<vmem>>, vector<1x16xf32>,
          %get3A_420 = vector.shape_cast %get3A_419 : vector<1x16xf32> to vector<16xf32>
          %add3A_421 = arith.addf %get3A_420, %add3A_416 : vector<16xf32>
          %swap3A_422 = arith.index_cast %add3A_296 : i32 to index
          %swap3A_423 = arith.constant 32 : index
          %swap3A_424 = tpu.vector_load %arg8[%swap3A_422, %swap3A_423] {strides = array<i32>} : memref<128x64xf32, #tpu.memory_space<vmem>>, vector<1x16xf32>,
          %swap3A_425 = vector.shape_cast %swap3A_424 : vector<1x16xf32> to vector<16xf32>
          %swap3A_426 = vector.shape_cast %add3A_421 : vector<16xf32> to vector<1x16xf32>
          tpu.vector_store %arg8[%swap3A_422, %swap3A_423], %swap3A_426 {strides = array<i32>} : memref<128x64xf32, #tpu.memory_space<vmem>>, vector<1x16xf32>,
          %get3A_427 = arith.constant 0 : i32
          %get3A_428 = arith.index_cast %get3A_427 : i32 to index
          %get3A_429 = arith.index_cast %add3A_296 : i32 to index
          %get3A_430 = arith.constant 48 : index
          %get3A_431 = tpu.vector_load %arg6[%get3A_428, %get3A_429, %get3A_430] {strides = array<i32>} : memref<5x128x64xf32, #tpu.memory_space<vmem>>, vector<1x1x16xf32>,
          %get3A_432 = vector.shape_cast %get3A_431 : vector<1x1x16xf32> to vector<16xf32>
          %get3A_433 = arith.constant 1 : i32
          %get3A_434 = arith.index_cast %get3A_433 : i32 to index
          %get3A_435 = arith.index_cast %add3A_296 : i32 to index
          %get3A_436 = arith.constant 48 : index
          %get3A_437 = tpu.vector_load %arg6[%get3A_434, %get3A_435, %get3A_436] {strides = array<i32>} : memref<5x128x64xf32, #tpu.memory_space<vmem>>, vector<1x1x16xf32>,
          %get3A_438 = vector.shape_cast %get3A_437 : vector<1x1x16xf32> to vector<16xf32>
          %add3A_439 = arith.addf %get3A_432, %get3A_438 : vector<16xf32>
          %get3A_440 = arith.constant 2 : i32
          %get3A_441 = arith.index_cast %get3A_440 : i32 to index
          %get3A_442 = arith.index_cast %add3A_296 : i32 to index
          %get3A_443 = arith.constant 48 : index
          %get3A_444 = tpu.vector_load %arg6[%get3A_441, %get3A_442, %get3A_443] {strides = array<i32>} : memref<5x128x64xf32, #tpu.memory_space<vmem>>, vector<1x1x16xf32>,
          %get3A_445 = vector.shape_cast %get3A_444 : vector<1x1x16xf32> to vector<16xf32>
          %add3A_446 = arith.addf %add3A_439, %get3A_445 : vector<16xf32>
          %get3A_447 = arith.constant 3 : i32
          %get3A_448 = arith.index_cast %get3A_447 : i32 to index
          %get3A_449 = arith.index_cast %add3A_296 : i32 to index
          %get3A_450 = arith.constant 48 : index
          %get3A_451 = tpu.vector_load %arg6[%get3A_448, %get3A_449, %get3A_450] {strides = array<i32>} : memref<5x128x64xf32, #tpu.memory_space<vmem>>, vector<1x1x16xf32>,
          %get3A_452 = vector.shape_cast %get3A_451 : vector<1x1x16xf32> to vector<16xf32>
          %add3A_453 = arith.addf %add3A_446, %get3A_452 : vector<16xf32>
          %get3A_454 = arith.constant 4 : i32
          %get3A_455 = arith.index_cast %get3A_454 : i32 to index
          %get3A_456 = arith.index_cast %add3A_296 : i32 to index
          %get3A_457 = arith.constant 48 : index
          %get3A_458 = tpu.vector_load %arg6[%get3A_455, %get3A_456, %get3A_457] {strides = array<i32>} : memref<5x128x64xf32, #tpu.memory_space<vmem>>, vector<1x1x16xf32>,
          %get3A_459 = vector.shape_cast %get3A_458 : vector<1x1x16xf32> to vector<16xf32>
          %add3A_460 = arith.addf %add3A_453, %get3A_459 : vector<16xf32>
          %get3A_461 = arith.index_cast %add3A_296 : i32 to index
          %get3A_462 = arith.constant 48 : index
          %get3A_463 = tpu.vector_load %arg8[%get3A_461, %get3A_462] {strides = array<i32>} : memref<128x64xf32, #tpu.memory_space<vmem>>, vector<1x16xf32>,
          %get3A_464 = vector.shape_cast %get3A_463 : vector<1x16xf32> to vector<16xf32>
          %add3A_465 = arith.addf %get3A_464, %add3A_460 : vector<16xf32>
          %swap3A_466 = arith.index_cast %add3A_296 : i32 to index
          %swap3A_467 = arith.constant 48 : index
          %swap3A_468 = tpu.vector_load %arg8[%swap3A_466, %swap3A_467] {strides = array<i32>} : memref<128x64xf32, #tpu.memory_space<vmem>>, vector<1x16xf32>,
          %swap3A_469 = vector.shape_cast %swap3A_468 : vector<1x16xf32> to vector<16xf32>
          %swap3A_470 = vector.shape_cast %add3A_465 : vector<16xf32> to vector<1x16xf32>
          tpu.vector_store %arg8[%swap3A_466, %swap3A_467], %swap3A_470 {strides = array<i32>} : memref<128x64xf32, #tpu.memory_space<vmem>>, vector<1x16xf32>,
        }
        %scan3A_215 = arith.constant 128 : i32
        %add3A_216 = arith.constant 2 : i32
        %add3A_217 = arith.addi %add3A_151, %add3A_216 : i32
        %lt3A = arith.constant 20 : i32
        %lt3A_218 = arith.cmpi slt, %add3A_217, %lt3A : i32
        %convert_element_type3A = arith.extui %lt3A_218 : i1 to i32
        %cond3A = arith.constant 0 : i32
        %cond3A_219 = arith.cmpi ne, %convert_element_type3A, %cond3A : i32
        scf.if %cond3A_219 {
          %add3A_292 = arith.constant 2 : i32
          %add3A_293 = arith.addi %add3A_151, %add3A_292 : i32
          %mul3A_294 = arith.constant 5 : i32
          %mul3A_295 = arith.muli %add3A_293, %mul3A_294 : i32
          %add3A_296 = arith.constant 0 : i32
          %add3A_297 = arith.addi %mul3A_295, %add3A_296 : i32
          %dma_start3A_298 = arith.constant 0 : i32
          %dma_start3A_299 = arith.constant 0 : i32
          %dma_start3A_300 = arith.constant 0 : i32
          %dma_start3A_301 = tpu.memref_slice %arg6[%dma_start3A_298, %dma_start3A_299, %dma_start3A_300] : memref<5x128x64xf32, #tpu.memory_space<vmem>> -> memref<1x128x64xf32, #tpu.memory_space<vmem>>
          %dma_start3A_302 = tpu.memref_squeeze %dma_start3A_301 : memref<1x128x64xf32, #tpu.memory_space<vmem>> -> memref<128x64xf32, #tpu.memory_space<vmem>>
          %dma_start3A_303 = arith.constant 0 : i32
          %dma_start3A_304 = tpu.memref_slice %arg5[%add3A_297, %dma_start3A_303] : memref<100x128xi32, #tpu.memory_space<vmem>> -> memref<1x128xi32, #tpu.memory_space<vmem>>
          %dma_start3A_305 = tpu.memref_squeeze %dma_start3A_304 : memref<1x128xi32, #tpu.memory_space<vmem>> -> memref<128xi32, #tpu.memory_space<vmem>>
          %dma_start3A_306 = arith.constant 0 : i32
          %dma_start3A_307 = arith.constant 0 : i32
          %dma_start3A_308 = tpu.memref_slice %arg3[%dma_start3A_306, %dma_start3A_307] : memref<100000x64xf32, #tpu.memory_space<hbm>> -> memref<100000x64xf32, #tpu.memory_space<hbm>>
          tpu.enqueue_indirect_dma source(%dma_start3A_308 : memref<100000x64xf32, #tpu.memory_space<hbm>>) target(%dma_start3A_302 : memref<128x64xf32, #tpu.memory_space<vmem>>) offsets(%dma_start3A_305 : memref<128xi32, #tpu.memory_space<vmem>>) semaphore(%arg9 : memref<!tpu.dma_semaphore, #tpu.memory_space<semaphore_mem>>)
          %mul3A_309 = arith.constant 5 : i32
          %mul3A_310 = arith.muli %add3A_293, %mul3A_309 : i32
          %add3A_311 = arith.constant 1 : i32
          %add3A_312 = arith.addi %mul3A_310, %add3A_311 : i32
          %dma_start3A_313 = arith.constant 1 : i32
          %dma_start3A_314 = arith.constant 0 : i32
          %dma_start3A_315 = arith.constant 0 : i32
          %dma_start3A_316 = tpu.memref_slice %arg6[%dma_start3A_313, %dma_start3A_314, %dma_start3A_315] : memref<5x128x64xf32, #tpu.memory_space<vmem>> -> memref<1x128x64xf32, #tpu.memory_space<vmem>>
          %dma_start3A_317 = tpu.memref_squeeze %dma_start3A_316 : memref<1x128x64xf32, #tpu.memory_space<vmem>> -> memref<128x64xf32, #tpu.memory_space<vmem>>
          %dma_start3A_318 = arith.constant 0 : i32
          %dma_start3A_319 = tpu.memref_slice %arg5[%add3A_312, %dma_start3A_318] : memref<100x128xi32, #tpu.memory_space<vmem>> -> memref<1x128xi32, #tpu.memory_space<vmem>>
          %dma_start3A_320 = tpu.memref_squeeze %dma_start3A_319 : memref<1x128xi32, #tpu.memory_space<vmem>> -> memref<128xi32, #tpu.memory_space<vmem>>
          %dma_start3A_321 = arith.constant 0 : i32
          %dma_start3A_322 = arith.constant 0 : i32
          %dma_start3A_323 = tpu.memref_slice %arg3[%dma_start3A_321, %dma_start3A_322] : memref<100000x64xf32, #tpu.memory_space<hbm>> -> memref<100000x64xf32, #tpu.memory_space<hbm>>
          tpu.enqueue_indirect_dma source(%dma_start3A_323 : memref<100000x64xf32, #tpu.memory_space<hbm>>) target(%dma_start3A_317 : memref<128x64xf32, #tpu.memory_space<vmem>>) offsets(%dma_start3A_320 : memref<128xi32, #tpu.memory_space<vmem>>) semaphore(%arg9 : memref<!tpu.dma_semaphore, #tpu.memory_space<semaphore_mem>>)
          %mul3A_324 = arith.constant 5 : i32
          %mul3A_325 = arith.muli %add3A_293, %mul3A_324 : i32
          %add3A_326 = arith.constant 2 : i32
          %add3A_327 = arith.addi %mul3A_325, %add3A_326 : i32
          %dma_start3A_328 = arith.constant 2 : i32
          %dma_start3A_329 = arith.constant 0 : i32
          %dma_start3A_330 = arith.constant 0 : i32
          %dma_start3A_331 = tpu.memref_slice %arg6[%dma_start3A_328, %dma_start3A_329, %dma_start3A_330] : memref<5x128x64xf32, #tpu.memory_space<vmem>> -> memref<1x128x64xf32, #tpu.memory_space<vmem>>
          %dma_start3A_332 = tpu.memref_squeeze %dma_start3A_331 : memref<1x128x64xf32, #tpu.memory_space<vmem>> -> memref<128x64xf32, #tpu.memory_space<vmem>>
          %dma_start3A_333 = arith.constant 0 : i32
          %dma_start3A_334 = tpu.memref_slice %arg5[%add3A_327, %dma_start3A_333] : memref<100x128xi32, #tpu.memory_space<vmem>> -> memref<1x128xi32, #tpu.memory_space<vmem>>
          %dma_start3A_335 = tpu.memref_squeeze %dma_start3A_334 : memref<1x128xi32, #tpu.memory_space<vmem>> -> memref<128xi32, #tpu.memory_space<vmem>>
          %dma_start3A_336 = arith.constant 0 : i32
          %dma_start3A_337 = arith.constant 0 : i32
          %dma_start3A_338 = tpu.memref_slice %arg3[%dma_start3A_336, %dma_start3A_337] : memref<100000x64xf32, #tpu.memory_space<hbm>> -> memref<100000x64xf32, #tpu.memory_space<hbm>>
          tpu.enqueue_indirect_dma source(%dma_start3A_338 : memref<100000x64xf32, #tpu.memory_space<hbm>>) target(%dma_start3A_332 : memref<128x64xf32, #tpu.memory_space<vmem>>) offsets(%dma_start3A_335 : memref<128xi32, #tpu.memory_space<vmem>>) semaphore(%arg9 : memref<!tpu.dma_semaphore, #tpu.memory_space<semaphore_mem>>)
          %mul3A_339 = arith.constant 5 : i32
          %mul3A_340 = arith.muli %add3A_293, %mul3A_339 : i32
          %add3A_341 = arith.constant 3 : i32
          %add3A_342 = arith.addi %mul3A_340, %add3A_341 : i32
          %dma_start3A_343 = arith.constant 3 : i32
          %dma_start3A_344 = arith.constant 0 : i32
          %dma_start3A_345 = arith.constant 0 : i32
          %dma_start3A_346 = tpu.memref_slice %arg6[%dma_start3A_343, %dma_start3A_344, %dma_start3A_345] : memref<5x128x64xf32, #tpu.memory_space<vmem>> -> memref<1x128x64xf32, #tpu.memory_space<vmem>>
          %dma_start3A_347 = tpu.memref_squeeze %dma_start3A_346 : memref<1x128x64xf32, #tpu.memory_space<vmem>> -> memref<128x64xf32, #tpu.memory_space<vmem>>
          %dma_start3A_348 = arith.constant 0 : i32
          %dma_start3A_349 = tpu.memref_slice %arg5[%add3A_342, %dma_start3A_348] : memref<100x128xi32, #tpu.memory_space<vmem>> -> memref<1x128xi32, #tpu.memory_space<vmem>>
          %dma_start3A_350 = tpu.memref_squeeze %dma_start3A_349 : memref<1x128xi32, #tpu.memory_space<vmem>> -> memref<128xi32, #tpu.memory_space<vmem>>
          %dma_start3A_351 = arith.constant 0 : i32
          %dma_start3A_352 = arith.constant 0 : i32
          %dma_start3A_353 = tpu.memref_slice %arg3[%dma_start3A_351, %dma_start3A_352] : memref<100000x64xf32, #tpu.memory_space<hbm>> -> memref<100000x64xf32, #tpu.memory_space<hbm>>
          tpu.enqueue_indirect_dma source(%dma_start3A_353 : memref<100000x64xf32, #tpu.memory_space<hbm>>) target(%dma_start3A_347 : memref<128x64xf32, #tpu.memory_space<vmem>>) offsets(%dma_start3A_350 : memref<128xi32, #tpu.memory_space<vmem>>) semaphore(%arg9 : memref<!tpu.dma_semaphore, #tpu.memory_space<semaphore_mem>>)
          %mul3A_354 = arith.constant 5 : i32
          %mul3A_355 = arith.muli %add3A_293, %mul3A_354 : i32
          %add3A_356 = arith.constant 4 : i32
          %add3A_357 = arith.addi %mul3A_355, %add3A_356 : i32
          %dma_start3A_358 = arith.constant 4 : i32
          %dma_start3A_359 = arith.constant 0 : i32
          %dma_start3A_360 = arith.constant 0 : i32
          %dma_start3A_361 = tpu.memref_slice %arg6[%dma_start3A_358, %dma_start3A_359, %dma_start3A_360] : memref<5x128x64xf32, #tpu.memory_space<vmem>> -> memref<1x128x64xf32, #tpu.memory_space<vmem>>
          %dma_start3A_362 = tpu.memref_squeeze %dma_start3A_361 : memref<1x128x64xf32, #tpu.memory_space<vmem>> -> memref<128x64xf32, #tpu.memory_space<vmem>>
          %dma_start3A_363 = arith.constant 0 : i32
          %dma_start3A_364 = tpu.memref_slice %arg5[%add3A_357, %dma_start3A_363] : memref<100x128xi32, #tpu.memory_space<vmem>> -> memref<1x128xi32, #tpu.memory_space<vmem>>
          %dma_start3A_365 = tpu.memref_squeeze %dma_start3A_364 : memref<1x128xi32, #tpu.memory_space<vmem>> -> memref<128xi32, #tpu.memory_space<vmem>>
          %dma_start3A_366 = arith.constant 0 : i32
          %dma_start3A_367 = arith.constant 0 : i32
          %dma_start3A_368 = tpu.memref_slice %arg3[%dma_start3A_366, %dma_start3A_367] : memref<100000x64xf32, #tpu.memory_space<hbm>> -> memref<100000x64xf32, #tpu.memory_space<hbm>>
          tpu.enqueue_indirect_dma source(%dma_start3A_368 : memref<100000x64xf32, #tpu.memory_space<hbm>>) target(%dma_start3A_362 : memref<128x64xf32, #tpu.memory_space<vmem>>) offsets(%dma_start3A_365 : memref<128xi32, #tpu.memory_space<vmem>>) semaphore(%arg9 : memref<!tpu.dma_semaphore, #tpu.memory_space<semaphore_mem>>)
        } else {
        }
        %dma_wait3A_220 = arith.constant 0 : i32
        %dma_wait3A_221 = arith.constant 0 : i32
        %dma_wait3A_222 = arith.constant 0 : i32
        %dma_wait3A_223 = arith.constant 0 : i32
        %dma_wait3A_224 = tpu.memref_slice %arg7[%dma_wait3A_221, %dma_wait3A_222, %dma_wait3A_223] : memref<5x128x64xf32, #tpu.memory_space<vmem>> -> memref<1x128x64xf32, #tpu.memory_space<vmem>>
        %dma_wait3A_225 = tpu.memref_squeeze %dma_wait3A_224 : memref<1x128x64xf32, #tpu.memory_space<vmem>> -> memref<128x64xf32, #tpu.memory_space<vmem>>
        %dma_wait3A_226 = arith.constant 0 : i32
        %dma_wait3A_227 = tpu.memref_slice %arg5[%dma_wait3A_220, %dma_wait3A_226] : memref<100x128xi32, #tpu.memory_space<vmem>> -> memref<1x128xi32, #tpu.memory_space<vmem>>
        %dma_wait3A_228 = tpu.memref_squeeze %dma_wait3A_227 : memref<1x128xi32, #tpu.memory_space<vmem>> -> memref<128xi32, #tpu.memory_space<vmem>>
        %dma_wait3A_229 = arith.constant 0 : i32
        %dma_wait3A_230 = arith.constant 0 : i32
        %dma_wait3A_231 = tpu.memref_slice %arg3[%dma_wait3A_229, %dma_wait3A_230] : memref<100000x64xf32, #tpu.memory_space<hbm>> -> memref<100000x64xf32, #tpu.memory_space<hbm>>
        tpu.wait_indirect_dma semaphore(%arg10 : memref<!tpu.dma_semaphore, #tpu.memory_space<semaphore_mem>>) src(%dma_wait3A_231 : memref<100000x64xf32, #tpu.memory_space<hbm>>) dst(%dma_wait3A_225 : memref<128x64xf32, #tpu.memory_space<vmem>>)
        %dma_wait3A_232 = arith.constant 1 : i32
        %dma_wait3A_233 = arith.constant 1 : i32
        %dma_wait3A_234 = arith.constant 0 : i32
        %dma_wait3A_235 = arith.constant 0 : i32
        %dma_wait3A_236 = tpu.memref_slice %arg7[%dma_wait3A_233, %dma_wait3A_234, %dma_wait3A_235] : memref<5x128x64xf32, #tpu.memory_space<vmem>> -> memref<1x128x64xf32, #tpu.memory_space<vmem>>
        %dma_wait3A_237 = tpu.memref_squeeze %dma_wait3A_236 : memref<1x128x64xf32, #tpu.memory_space<vmem>> -> memref<128x64xf32, #tpu.memory_space<vmem>>
        %dma_wait3A_238 = arith.constant 0 : i32
        %dma_wait3A_239 = tpu.memref_slice %arg5[%dma_wait3A_232, %dma_wait3A_238] : memref<100x128xi32, #tpu.memory_space<vmem>> -> memref<1x128xi32, #tpu.memory_space<vmem>>
        %dma_wait3A_240 = tpu.memref_squeeze %dma_wait3A_239 : memref<1x128xi32, #tpu.memory_space<vmem>> -> memref<128xi32, #tpu.memory_space<vmem>>
        %dma_wait3A_241 = arith.constant 0 : i32
        %dma_wait3A_242 = arith.constant 0 : i32
        %dma_wait3A_243 = tpu.memref_slice %arg3[%dma_wait3A_241, %dma_wait3A_242] : memref<100000x64xf32, #tpu.memory_space<hbm>> -> memref<100000x64xf32, #tpu.memory_space<hbm>>
        tpu.wait_indirect_dma semaphore(%arg10 : memref<!tpu.dma_semaphore, #tpu.memory_space<semaphore_mem>>) src(%dma_wait3A_243 : memref<100000x64xf32, #tpu.memory_space<hbm>>) dst(%dma_wait3A_237 : memref<128x64xf32, #tpu.memory_space<vmem>>)
        %dma_wait3A_244 = arith.constant 2 : i32
        %dma_wait3A_245 = arith.constant 2 : i32
        %dma_wait3A_246 = arith.constant 0 : i32
        %dma_wait3A_247 = arith.constant 0 : i32
        %dma_wait3A_248 = tpu.memref_slice %arg7[%dma_wait3A_245, %dma_wait3A_246, %dma_wait3A_247] : memref<5x128x64xf32, #tpu.memory_space<vmem>> -> memref<1x128x64xf32, #tpu.memory_space<vmem>>
        %dma_wait3A_249 = tpu.memref_squeeze %dma_wait3A_248 : memref<1x128x64xf32, #tpu.memory_space<vmem>> -> memref<128x64xf32, #tpu.memory_space<vmem>>
        %dma_wait3A_250 = arith.constant 0 : i32
        %dma_wait3A_251 = tpu.memref_slice %arg5[%dma_wait3A_244, %dma_wait3A_250] : memref<100x128xi32, #tpu.memory_space<vmem>> -> memref<1x128xi32, #tpu.memory_space<vmem>>
        %dma_wait3A_252 = tpu.memref_squeeze %dma_wait3A_251 : memref<1x128xi32, #tpu.memory_space<vmem>> -> memref<128xi32, #tpu.memory_space<vmem>>
        %dma_wait3A_253 = arith.constant 0 : i32
        %dma_wait3A_254 = arith.constant 0 : i32
        %dma_wait3A_255 = tpu.memref_slice %arg3[%dma_wait3A_253, %dma_wait3A_254] : memref<100000x64xf32, #tpu.memory_space<hbm>> -> memref<100000x64xf32, #tpu.memory_space<hbm>>
        tpu.wait_indirect_dma semaphore(%arg10 : memref<!tpu.dma_semaphore, #tpu.memory_space<semaphore_mem>>) src(%dma_wait3A_255 : memref<100000x64xf32, #tpu.memory_space<hbm>>) dst(%dma_wait3A_249 : memref<128x64xf32, #tpu.memory_space<vmem>>)
        %dma_wait3A_256 = arith.constant 3 : i32
        %dma_wait3A_257 = arith.constant 3 : i32
        %dma_wait3A_258 = arith.constant 0 : i32
        %dma_wait3A_259 = arith.constant 0 : i32
        %dma_wait3A_260 = tpu.memref_slice %arg7[%dma_wait3A_257, %dma_wait3A_258, %dma_wait3A_259] : memref<5x128x64xf32, #tpu.memory_space<vmem>> -> memref<1x128x64xf32, #tpu.memory_space<vmem>>
        %dma_wait3A_261 = tpu.memref_squeeze %dma_wait3A_260 : memref<1x128x64xf32, #tpu.memory_space<vmem>> -> memref<128x64xf32, #tpu.memory_space<vmem>>
        %dma_wait3A_262 = arith.constant 0 : i32
        %dma_wait3A_263 = tpu.memref_slice %arg5[%dma_wait3A_256, %dma_wait3A_262] : memref<100x128xi32, #tpu.memory_space<vmem>> -> memref<1x128xi32, #tpu.memory_space<vmem>>
        %dma_wait3A_264 = tpu.memref_squeeze %dma_wait3A_263 : memref<1x128xi32, #tpu.memory_space<vmem>> -> memref<128xi32, #tpu.memory_space<vmem>>
        %dma_wait3A_265 = arith.constant 0 : i32
        %dma_wait3A_266 = arith.constant 0 : i32
        %dma_wait3A_267 = tpu.memref_slice %arg3[%dma_wait3A_265, %dma_wait3A_266] : memref<100000x64xf32, #tpu.memory_space<hbm>> -> memref<100000x64xf32, #tpu.memory_space<hbm>>
        tpu.wait_indirect_dma semaphore(%arg10 : memref<!tpu.dma_semaphore, #tpu.memory_space<semaphore_mem>>) src(%dma_wait3A_267 : memref<100000x64xf32, #tpu.memory_space<hbm>>) dst(%dma_wait3A_261 : memref<128x64xf32, #tpu.memory_space<vmem>>)
        %dma_wait3A_268 = arith.constant 4 : i32
        %dma_wait3A_269 = arith.constant 4 : i32
        %dma_wait3A_270 = arith.constant 0 : i32
        %dma_wait3A_271 = arith.constant 0 : i32
        %dma_wait3A_272 = tpu.memref_slice %arg7[%dma_wait3A_269, %dma_wait3A_270, %dma_wait3A_271] : memref<5x128x64xf32, #tpu.memory_space<vmem>> -> memref<1x128x64xf32, #tpu.memory_space<vmem>>
        %dma_wait3A_273 = tpu.memref_squeeze %dma_wait3A_272 : memref<1x128x64xf32, #tpu.memory_space<vmem>> -> memref<128x64xf32, #tpu.memory_space<vmem>>
        %dma_wait3A_274 = arith.constant 0 : i32
        %dma_wait3A_275 = tpu.memref_slice %arg5[%dma_wait3A_268, %dma_wait3A_274] : memref<100x128xi32, #tpu.memory_space<vmem>> -> memref<1x128xi32, #tpu.memory_space<vmem>>
        %dma_wait3A_276 = tpu.memref_squeeze %dma_wait3A_275 : memref<1x128xi32, #tpu.memory_space<vmem>> -> memref<128xi32, #tpu.memory_space<vmem>>
        %dma_wait3A_277 = arith.constant 0 : i32
        %dma_wait3A_278 = arith.constant 0 : i32
        %dma_wait3A_279 = tpu.memref_slice %arg3[%dma_wait3A_277, %dma_wait3A_278] : memref<100000x64xf32, #tpu.memory_space<hbm>> -> memref<100000x64xf32, #tpu.memory_space<hbm>>
        tpu.wait_indirect_dma semaphore(%arg10 : memref<!tpu.dma_semaphore, #tpu.memory_space<semaphore_mem>>) src(%dma_wait3A_279 : memref<100000x64xf32, #tpu.memory_space<hbm>>) dst(%dma_wait3A_273 : memref<128x64xf32, #tpu.memory_space<vmem>>)
        %scan3A_280 = arith.constant 0 : i32
        %scan3A_281 = arith.constant 128 : i32
        %scan3A_282 = arith.addi %scan3A_280, %scan3A_281 : i32
        %scan3A_283 = arith.constant 1 : i32
        scf.for %scan3A_292 = %scan3A_280 to %scan3A_282 step %scan3A_283  : i32 {
          %mul3A_293 = arith.constant 1 : i32
          %mul3A_294 = arith.muli %scan3A_292, %mul3A_293 : i32
          %add3A_295 = arith.constant 0 : i32
          %add3A_296 = arith.addi %add3A_295, %mul3A_294 : i32
          %get3A = arith.constant 0 : i32
          %get3A_297 = arith.index_cast %get3A : i32 to index
          %get3A_298 = arith.index_cast %add3A_296 : i32 to index
          %get3A_299 = arith.constant 0 : index
          %get3A_300 = tpu.vector_load %arg7[%get3A_297, %get3A_298, %get3A_299] {strides = array<i32>} : memref<5x128x64xf32, #tpu.memory_space<vmem>>, vector<1x1x16xf32>,
          %get3A_301 = vector.shape_cast %get3A_300 : vector<1x1x16xf32> to vector<16xf32>
          %get3A_302 = arith.constant 1 : i32
          %get3A_303 = arith.index_cast %get3A_302 : i32 to index
          %get3A_304 = arith.index_cast %add3A_296 : i32 to index
          %get3A_305 = arith.constant 0 : index
          %get3A_306 = tpu.vector_load %arg7[%get3A_303, %get3A_304, %get3A_305] {strides = array<i32>} : memref<5x128x64xf32, #tpu.memory_space<vmem>>, vector<1x1x16xf32>,
          %get3A_307 = vector.shape_cast %get3A_306 : vector<1x1x16xf32> to vector<16xf32>
          %add3A_308 = arith.addf %get3A_301, %get3A_307 : vector<16xf32>
          %get3A_309 = arith.constant 2 : i32
          %get3A_310 = arith.index_cast %get3A_309 : i32 to index
          %get3A_311 = arith.index_cast %add3A_296 : i32 to index
          %get3A_312 = arith.constant 0 : index
          %get3A_313 = tpu.vector_load %arg7[%get3A_310, %get3A_311, %get3A_312] {strides = array<i32>} : memref<5x128x64xf32, #tpu.memory_space<vmem>>, vector<1x1x16xf32>,
          %get3A_314 = vector.shape_cast %get3A_313 : vector<1x1x16xf32> to vector<16xf32>
          %add3A_315 = arith.addf %add3A_308, %get3A_314 : vector<16xf32>
          %get3A_316 = arith.constant 3 : i32
          %get3A_317 = arith.index_cast %get3A_316 : i32 to index
          %get3A_318 = arith.index_cast %add3A_296 : i32 to index
          %get3A_319 = arith.constant 0 : index
          %get3A_320 = tpu.vector_load %arg7[%get3A_317, %get3A_318, %get3A_319] {strides = array<i32>} : memref<5x128x64xf32, #tpu.memory_space<vmem>>, vector<1x1x16xf32>,
          %get3A_321 = vector.shape_cast %get3A_320 : vector<1x1x16xf32> to vector<16xf32>
          %add3A_322 = arith.addf %add3A_315, %get3A_321 : vector<16xf32>
          %get3A_323 = arith.constant 4 : i32
          %get3A_324 = arith.index_cast %get3A_323 : i32 to index
          %get3A_325 = arith.index_cast %add3A_296 : i32 to index
          %get3A_326 = arith.constant 0 : index
          %get3A_327 = tpu.vector_load %arg7[%get3A_324, %get3A_325, %get3A_326] {strides = array<i32>} : memref<5x128x64xf32, #tpu.memory_space<vmem>>, vector<1x1x16xf32>,
          %get3A_328 = vector.shape_cast %get3A_327 : vector<1x1x16xf32> to vector<16xf32>
          %add3A_329 = arith.addf %add3A_322, %get3A_328 : vector<16xf32>
          %get3A_330 = arith.index_cast %add3A_296 : i32 to index
          %get3A_331 = arith.constant 0 : index
          %get3A_332 = tpu.vector_load %arg8[%get3A_330, %get3A_331] {strides = array<i32>} : memref<128x64xf32, #tpu.memory_space<vmem>>, vector<1x16xf32>,
          %get3A_333 = vector.shape_cast %get3A_332 : vector<1x16xf32> to vector<16xf32>
          %add3A_334 = arith.addf %get3A_333, %add3A_329 : vector<16xf32>
          %swap3A = arith.index_cast %add3A_296 : i32 to index
          %swap3A_335 = arith.constant 0 : index
          %swap3A_336 = tpu.vector_load %arg8[%swap3A, %swap3A_335] {strides = array<i32>} : memref<128x64xf32, #tpu.memory_space<vmem>>, vector<1x16xf32>,
          %swap3A_337 = vector.shape_cast %swap3A_336 : vector<1x16xf32> to vector<16xf32>
          %swap3A_338 = vector.shape_cast %add3A_334 : vector<16xf32> to vector<1x16xf32>
          tpu.vector_store %arg8[%swap3A, %swap3A_335], %swap3A_338 {strides = array<i32>} : memref<128x64xf32, #tpu.memory_space<vmem>>, vector<1x16xf32>,
          %get3A_339 = arith.constant 0 : i32
          %get3A_340 = arith.index_cast %get3A_339 : i32 to index
          %get3A_341 = arith.index_cast %add3A_296 : i32 to index
          %get3A_342 = arith.constant 16 : index
          %get3A_343 = tpu.vector_load %arg7[%get3A_340, %get3A_341, %get3A_342] {strides = array<i32>} : memref<5x128x64xf32, #tpu.memory_space<vmem>>, vector<1x1x16xf32>,
          %get3A_344 = vector.shape_cast %get3A_343 : vector<1x1x16xf32> to vector<16xf32>
          %get3A_345 = arith.constant 1 : i32
          %get3A_346 = arith.index_cast %get3A_345 : i32 to index
          %get3A_347 = arith.index_cast %add3A_296 : i32 to index
          %get3A_348 = arith.constant 16 : index
          %get3A_349 = tpu.vector_load %arg7[%get3A_346, %get3A_347, %get3A_348] {strides = array<i32>} : memref<5x128x64xf32, #tpu.memory_space<vmem>>, vector<1x1x16xf32>,
          %get3A_350 = vector.shape_cast %get3A_349 : vector<1x1x16xf32> to vector<16xf32>
          %add3A_351 = arith.addf %get3A_344, %get3A_350 : vector<16xf32>
          %get3A_352 = arith.constant 2 : i32
          %get3A_353 = arith.index_cast %get3A_352 : i32 to index
          %get3A_354 = arith.index_cast %add3A_296 : i32 to index
          %get3A_355 = arith.constant 16 : index
          %get3A_356 = tpu.vector_load %arg7[%get3A_353, %get3A_354, %get3A_355] {strides = array<i32>} : memref<5x128x64xf32, #tpu.memory_space<vmem>>, vector<1x1x16xf32>,
          %get3A_357 = vector.shape_cast %get3A_356 : vector<1x1x16xf32> to vector<16xf32>
          %add3A_358 = arith.addf %add3A_351, %get3A_357 : vector<16xf32>
          %get3A_359 = arith.constant 3 : i32
          %get3A_360 = arith.index_cast %get3A_359 : i32 to index
          %get3A_361 = arith.index_cast %add3A_296 : i32 to index
          %get3A_362 = arith.constant 16 : index
          %get3A_363 = tpu.vector_load %arg7[%get3A_360, %get3A_361, %get3A_362] {strides = array<i32>} : memref<5x128x64xf32, #tpu.memory_space<vmem>>, vector<1x1x16xf32>,
          %get3A_364 = vector.shape_cast %get3A_363 : vector<1x1x16xf32> to vector<16xf32>
          %add3A_365 = arith.addf %add3A_358, %get3A_364 : vector<16xf32>
          %get3A_366 = arith.constant 4 : i32
          %get3A_367 = arith.index_cast %get3A_366 : i32 to index
          %get3A_368 = arith.index_cast %add3A_296 : i32 to index
          %get3A_369 = arith.constant 16 : index
          %get3A_370 = tpu.vector_load %arg7[%get3A_367, %get3A_368, %get3A_369] {strides = array<i32>} : memref<5x128x64xf32, #tpu.memory_space<vmem>>, vector<1x1x16xf32>,
          %get3A_371 = vector.shape_cast %get3A_370 : vector<1x1x16xf32> to vector<16xf32>
          %add3A_372 = arith.addf %add3A_365, %get3A_371 : vector<16xf32>
          %get3A_373 = arith.index_cast %add3A_296 : i32 to index
          %get3A_374 = arith.constant 16 : index
          %get3A_375 = tpu.vector_load %arg8[%get3A_373, %get3A_374] {strides = array<i32>} : memref<128x64xf32, #tpu.memory_space<vmem>>, vector<1x16xf32>,
          %get3A_376 = vector.shape_cast %get3A_375 : vector<1x16xf32> to vector<16xf32>
          %add3A_377 = arith.addf %get3A_376, %add3A_372 : vector<16xf32>
          %swap3A_378 = arith.index_cast %add3A_296 : i32 to index
          %swap3A_379 = arith.constant 16 : index
          %swap3A_380 = tpu.vector_load %arg8[%swap3A_378, %swap3A_379] {strides = array<i32>} : memref<128x64xf32, #tpu.memory_space<vmem>>, vector<1x16xf32>,
          %swap3A_381 = vector.shape_cast %swap3A_380 : vector<1x16xf32> to vector<16xf32>
          %swap3A_382 = vector.shape_cast %add3A_377 : vector<16xf32> to vector<1x16xf32>
          tpu.vector_store %arg8[%swap3A_378, %swap3A_379], %swap3A_382 {strides = array<i32>} : memref<128x64xf32, #tpu.memory_space<vmem>>, vector<1x16xf32>,
          %get3A_383 = arith.constant 0 : i32
          %get3A_384 = arith.index_cast %get3A_383 : i32 to index
          %get3A_385 = arith.index_cast %add3A_296 : i32 to index
          %get3A_386 = arith.constant 32 : index
          %get3A_387 = tpu.vector_load %arg7[%get3A_384, %get3A_385, %get3A_386] {strides = array<i32>} : memref<5x128x64xf32, #tpu.memory_space<vmem>>, vector<1x1x16xf32>,
          %get3A_388 = vector.shape_cast %get3A_387 : vector<1x1x16xf32> to vector<16xf32>
          %get3A_389 = arith.constant 1 : i32
          %get3A_390 = arith.index_cast %get3A_389 : i32 to index
          %get3A_391 = arith.index_cast %add3A_296 : i32 to index
          %get3A_392 = arith.constant 32 : index
          %get3A_393 = tpu.vector_load %arg7[%get3A_390, %get3A_391, %get3A_392] {strides = array<i32>} : memref<5x128x64xf32, #tpu.memory_space<vmem>>, vector<1x1x16xf32>,
          %get3A_394 = vector.shape_cast %get3A_393 : vector<1x1x16xf32> to vector<16xf32>
          %add3A_395 = arith.addf %get3A_388, %get3A_394 : vector<16xf32>
          %get3A_396 = arith.constant 2 : i32
          %get3A_397 = arith.index_cast %get3A_396 : i32 to index
          %get3A_398 = arith.index_cast %add3A_296 : i32 to index
          %get3A_399 = arith.constant 32 : index
          %get3A_400 = tpu.vector_load %arg7[%get3A_397, %get3A_398, %get3A_399] {strides = array<i32>} : memref<5x128x64xf32, #tpu.memory_space<vmem>>, vector<1x1x16xf32>,
          %get3A_401 = vector.shape_cast %get3A_400 : vector<1x1x16xf32> to vector<16xf32>
          %add3A_402 = arith.addf %add3A_395, %get3A_401 : vector<16xf32>
          %get3A_403 = arith.constant 3 : i32
          %get3A_404 = arith.index_cast %get3A_403 : i32 to index
          %get3A_405 = arith.index_cast %add3A_296 : i32 to index
          %get3A_406 = arith.constant 32 : index
          %get3A_407 = tpu.vector_load %arg7[%get3A_404, %get3A_405, %get3A_406] {strides = array<i32>} : memref<5x128x64xf32, #tpu.memory_space<vmem>>, vector<1x1x16xf32>,
          %get3A_408 = vector.shape_cast %get3A_407 : vector<1x1x16xf32> to vector<16xf32>
          %add3A_409 = arith.addf %add3A_402, %get3A_408 : vector<16xf32>
          %get3A_410 = arith.constant 4 : i32
          %get3A_411 = arith.index_cast %get3A_410 : i32 to index
          %get3A_412 = arith.index_cast %add3A_296 : i32 to index
          %get3A_413 = arith.constant 32 : index
          %get3A_414 = tpu.vector_load %arg7[%get3A_411, %get3A_412, %get3A_413] {strides = array<i32>} : memref<5x128x64xf32, #tpu.memory_space<vmem>>, vector<1x1x16xf32>,
          %get3A_415 = vector.shape_cast %get3A_414 : vector<1x1x16xf32> to vector<16xf32>
          %add3A_416 = arith.addf %add3A_409, %get3A_415 : vector<16xf32>
          %get3A_417 = arith.index_cast %add3A_296 : i32 to index
          %get3A_418 = arith.constant 32 : index
          %get3A_419 = tpu.vector_load %arg8[%get3A_417, %get3A_418] {strides = array<i32>} : memref<128x64xf32, #tpu.memory_space<vmem>>, vector<1x16xf32>,
          %get3A_420 = vector.shape_cast %get3A_419 : vector<1x16xf32> to vector<16xf32>
          %add3A_421 = arith.addf %get3A_420, %add3A_416 : vector<16xf32>
          %swap3A_422 = arith.index_cast %add3A_296 : i32 to index
          %swap3A_423 = arith.constant 32 : index
          %swap3A_424 = tpu.vector_load %arg8[%swap3A_422, %swap3A_423] {strides = array<i32>} : memref<128x64xf32, #tpu.memory_space<vmem>>, vector<1x16xf32>,
          %swap3A_425 = vector.shape_cast %swap3A_424 : vector<1x16xf32> to vector<16xf32>
          %swap3A_426 = vector.shape_cast %add3A_421 : vector<16xf32> to vector<1x16xf32>
          tpu.vector_store %arg8[%swap3A_422, %swap3A_423], %swap3A_426 {strides = array<i32>} : memref<128x64xf32, #tpu.memory_space<vmem>>, vector<1x16xf32>,
          %get3A_427 = arith.constant 0 : i32
          %get3A_428 = arith.index_cast %get3A_427 : i32 to index
          %get3A_429 = arith.index_cast %add3A_296 : i32 to index
          %get3A_430 = arith.constant 48 : index
          %get3A_431 = tpu.vector_load %arg7[%get3A_428, %get3A_429, %get3A_430] {strides = array<i32>} : memref<5x128x64xf32, #tpu.memory_space<vmem>>, vector<1x1x16xf32>,
          %get3A_432 = vector.shape_cast %get3A_431 : vector<1x1x16xf32> to vector<16xf32>
          %get3A_433 = arith.constant 1 : i32
          %get3A_434 = arith.index_cast %get3A_433 : i32 to index
          %get3A_435 = arith.index_cast %add3A_296 : i32 to index
          %get3A_436 = arith.constant 48 : index
          %get3A_437 = tpu.vector_load %arg7[%get3A_434, %get3A_435, %get3A_436] {strides = array<i32>} : memref<5x128x64xf32, #tpu.memory_space<vmem>>, vector<1x1x16xf32>,
          %get3A_438 = vector.shape_cast %get3A_437 : vector<1x1x16xf32> to vector<16xf32>
          %add3A_439 = arith.addf %get3A_432, %get3A_438 : vector<16xf32>
          %get3A_440 = arith.constant 2 : i32
          %get3A_441 = arith.index_cast %get3A_440 : i32 to index
          %get3A_442 = arith.index_cast %add3A_296 : i32 to index
          %get3A_443 = arith.constant 48 : index
          %get3A_444 = tpu.vector_load %arg7[%get3A_441, %get3A_442, %get3A_443] {strides = array<i32>} : memref<5x128x64xf32, #tpu.memory_space<vmem>>, vector<1x1x16xf32>,
          %get3A_445 = vector.shape_cast %get3A_444 : vector<1x1x16xf32> to vector<16xf32>
          %add3A_446 = arith.addf %add3A_439, %get3A_445 : vector<16xf32>
          %get3A_447 = arith.constant 3 : i32
          %get3A_448 = arith.index_cast %get3A_447 : i32 to index
          %get3A_449 = arith.index_cast %add3A_296 : i32 to index
          %get3A_450 = arith.constant 48 : index
          %get3A_451 = tpu.vector_load %arg7[%get3A_448, %get3A_449, %get3A_450] {strides = array<i32>} : memref<5x128x64xf32, #tpu.memory_space<vmem>>, vector<1x1x16xf32>,
          %get3A_452 = vector.shape_cast %get3A_451 : vector<1x1x16xf32> to vector<16xf32>
          %add3A_453 = arith.addf %add3A_446, %get3A_452 : vector<16xf32>
          %get3A_454 = arith.constant 4 : i32
          %get3A_455 = arith.index_cast %get3A_454 : i32 to index
          %get3A_456 = arith.index_cast %add3A_296 : i32 to index
          %get3A_457 = arith.constant 48 : index
          %get3A_458 = tpu.vector_load %arg7[%get3A_455, %get3A_456, %get3A_457] {strides = array<i32>} : memref<5x128x64xf32, #tpu.memory_space<vmem>>, vector<1x1x16xf32>,
          %get3A_459 = vector.shape_cast %get3A_458 : vector<1x1x16xf32> to vector<16xf32>
          %add3A_460 = arith.addf %add3A_453, %get3A_459 : vector<16xf32>
          %get3A_461 = arith.index_cast %add3A_296 : i32 to index
          %get3A_462 = arith.constant 48 : index
          %get3A_463 = tpu.vector_load %arg8[%get3A_461, %get3A_462] {strides = array<i32>} : memref<128x64xf32, #tpu.memory_space<vmem>>, vector<1x16xf32>,
          %get3A_464 = vector.shape_cast %get3A_463 : vector<1x16xf32> to vector<16xf32>
          %add3A_465 = arith.addf %get3A_464, %add3A_460 : vector<16xf32>
          %swap3A_466 = arith.index_cast %add3A_296 : i32 to index
          %swap3A_467 = arith.constant 48 : index
          %swap3A_468 = tpu.vector_load %arg8[%swap3A_466, %swap3A_467] {strides = array<i32>} : memref<128x64xf32, #tpu.memory_space<vmem>>, vector<1x16xf32>,
          %swap3A_469 = vector.shape_cast %swap3A_468 : vector<1x16xf32> to vector<16xf32>
          %swap3A_470 = vector.shape_cast %add3A_465 : vector<16xf32> to vector<1x16xf32>
          tpu.vector_store %arg8[%swap3A_466, %swap3A_467], %swap3A_470 {strides = array<i32>} : memref<128x64xf32, #tpu.memory_space<vmem>>, vector<1x16xf32>,
        }
        %scan3A_284 = arith.constant 128 : i32
        %add3A_285 = arith.constant 3 : i32
        %add3A_286 = arith.addi %add3A_151, %add3A_285 : i32
        %lt3A_287 = arith.constant 20 : i32
        %lt3A_288 = arith.cmpi slt, %add3A_286, %lt3A_287 : i32
        %convert_element_type3A_289 = arith.extui %lt3A_288 : i1 to i32
        %cond3A_290 = arith.constant 0 : i32
        %cond3A_291 = arith.cmpi ne, %convert_element_type3A_289, %cond3A_290 : i32
        scf.if %cond3A_291 {
          %add3A_292 = arith.constant 3 : i32
          %add3A_293 = arith.addi %add3A_151, %add3A_292 : i32
          %mul3A_294 = arith.constant 5 : i32
          %mul3A_295 = arith.muli %add3A_293, %mul3A_294 : i32
          %add3A_296 = arith.constant 0 : i32
          %add3A_297 = arith.addi %mul3A_295, %add3A_296 : i32
          %dma_start3A_298 = arith.constant 0 : i32
          %dma_start3A_299 = arith.constant 0 : i32
          %dma_start3A_300 = arith.constant 0 : i32
          %dma_start3A_301 = tpu.memref_slice %arg7[%dma_start3A_298, %dma_start3A_299, %dma_start3A_300] : memref<5x128x64xf32, #tpu.memory_space<vmem>> -> memref<1x128x64xf32, #tpu.memory_space<vmem>>
          %dma_start3A_302 = tpu.memref_squeeze %dma_start3A_301 : memref<1x128x64xf32, #tpu.memory_space<vmem>> -> memref<128x64xf32, #tpu.memory_space<vmem>>
          %dma_start3A_303 = arith.constant 0 : i32
          %dma_start3A_304 = tpu.memref_slice %arg5[%add3A_297, %dma_start3A_303] : memref<100x128xi32, #tpu.memory_space<vmem>> -> memref<1x128xi32, #tpu.memory_space<vmem>>
          %dma_start3A_305 = tpu.memref_squeeze %dma_start3A_304 : memref<1x128xi32, #tpu.memory_space<vmem>> -> memref<128xi32, #tpu.memory_space<vmem>>
          %dma_start3A_306 = arith.constant 0 : i32
          %dma_start3A_307 = arith.constant 0 : i32
          %dma_start3A_308 = tpu.memref_slice %arg3[%dma_start3A_306, %dma_start3A_307] : memref<100000x64xf32, #tpu.memory_space<hbm>> -> memref<100000x64xf32, #tpu.memory_space<hbm>>
          tpu.enqueue_indirect_dma source(%dma_start3A_308 : memref<100000x64xf32, #tpu.memory_space<hbm>>) target(%dma_start3A_302 : memref<128x64xf32, #tpu.memory_space<vmem>>) offsets(%dma_start3A_305 : memref<128xi32, #tpu.memory_space<vmem>>) semaphore(%arg10 : memref<!tpu.dma_semaphore, #tpu.memory_space<semaphore_mem>>)
          %mul3A_309 = arith.constant 5 : i32
          %mul3A_310 = arith.muli %add3A_293, %mul3A_309 : i32
          %add3A_311 = arith.constant 1 : i32
          %add3A_312 = arith.addi %mul3A_310, %add3A_311 : i32
          %dma_start3A_313 = arith.constant 1 : i32
          %dma_start3A_314 = arith.constant 0 : i32
          %dma_start3A_315 = arith.constant 0 : i32
          %dma_start3A_316 = tpu.memref_slice %arg7[%dma_start3A_313, %dma_start3A_314, %dma_start3A_315] : memref<5x128x64xf32, #tpu.memory_space<vmem>> -> memref<1x128x64xf32, #tpu.memory_space<vmem>>
          %dma_start3A_317 = tpu.memref_squeeze %dma_start3A_316 : memref<1x128x64xf32, #tpu.memory_space<vmem>> -> memref<128x64xf32, #tpu.memory_space<vmem>>
          %dma_start3A_318 = arith.constant 0 : i32
          %dma_start3A_319 = tpu.memref_slice %arg5[%add3A_312, %dma_start3A_318] : memref<100x128xi32, #tpu.memory_space<vmem>> -> memref<1x128xi32, #tpu.memory_space<vmem>>
          %dma_start3A_320 = tpu.memref_squeeze %dma_start3A_319 : memref<1x128xi32, #tpu.memory_space<vmem>> -> memref<128xi32, #tpu.memory_space<vmem>>
          %dma_start3A_321 = arith.constant 0 : i32
          %dma_start3A_322 = arith.constant 0 : i32
          %dma_start3A_323 = tpu.memref_slice %arg3[%dma_start3A_321, %dma_start3A_322] : memref<100000x64xf32, #tpu.memory_space<hbm>> -> memref<100000x64xf32, #tpu.memory_space<hbm>>
          tpu.enqueue_indirect_dma source(%dma_start3A_323 : memref<100000x64xf32, #tpu.memory_space<hbm>>) target(%dma_start3A_317 : memref<128x64xf32, #tpu.memory_space<vmem>>) offsets(%dma_start3A_320 : memref<128xi32, #tpu.memory_space<vmem>>) semaphore(%arg10 : memref<!tpu.dma_semaphore, #tpu.memory_space<semaphore_mem>>)
          %mul3A_324 = arith.constant 5 : i32
          %mul3A_325 = arith.muli %add3A_293, %mul3A_324 : i32
          %add3A_326 = arith.constant 2 : i32
          %add3A_327 = arith.addi %mul3A_325, %add3A_326 : i32
          %dma_start3A_328 = arith.constant 2 : i32
          %dma_start3A_329 = arith.constant 0 : i32
          %dma_start3A_330 = arith.constant 0 : i32
          %dma_start3A_331 = tpu.memref_slice %arg7[%dma_start3A_328, %dma_start3A_329, %dma_start3A_330] : memref<5x128x64xf32, #tpu.memory_space<vmem>> -> memref<1x128x64xf32, #tpu.memory_space<vmem>>
          %dma_start3A_332 = tpu.memref_squeeze %dma_start3A_331 : memref<1x128x64xf32, #tpu.memory_space<vmem>> -> memref<128x64xf32, #tpu.memory_space<vmem>>
          %dma_start3A_333 = arith.constant 0 : i32
          %dma_start3A_334 = tpu.memref_slice %arg5[%add3A_327, %dma_start3A_333] : memref<100x128xi32, #tpu.memory_space<vmem>> -> memref<1x128xi32, #tpu.memory_space<vmem>>
          %dma_start3A_335 = tpu.memref_squeeze %dma_start3A_334 : memref<1x128xi32, #tpu.memory_space<vmem>> -> memref<128xi32, #tpu.memory_space<vmem>>
          %dma_start3A_336 = arith.constant 0 : i32
          %dma_start3A_337 = arith.constant 0 : i32
          %dma_start3A_338 = tpu.memref_slice %arg3[%dma_start3A_336, %dma_start3A_337] : memref<100000x64xf32, #tpu.memory_space<hbm>> -> memref<100000x64xf32, #tpu.memory_space<hbm>>
          tpu.enqueue_indirect_dma source(%dma_start3A_338 : memref<100000x64xf32, #tpu.memory_space<hbm>>) target(%dma_start3A_332 : memref<128x64xf32, #tpu.memory_space<vmem>>) offsets(%dma_start3A_335 : memref<128xi32, #tpu.memory_space<vmem>>) semaphore(%arg10 : memref<!tpu.dma_semaphore, #tpu.memory_space<semaphore_mem>>)
          %mul3A_339 = arith.constant 5 : i32
          %mul3A_340 = arith.muli %add3A_293, %mul3A_339 : i32
          %add3A_341 = arith.constant 3 : i32
          %add3A_342 = arith.addi %mul3A_340, %add3A_341 : i32
          %dma_start3A_343 = arith.constant 3 : i32
          %dma_start3A_344 = arith.constant 0 : i32
          %dma_start3A_345 = arith.constant 0 : i32
          %dma_start3A_346 = tpu.memref_slice %arg7[%dma_start3A_343, %dma_start3A_344, %dma_start3A_345] : memref<5x128x64xf32, #tpu.memory_space<vmem>> -> memref<1x128x64xf32, #tpu.memory_space<vmem>>
          %dma_start3A_347 = tpu.memref_squeeze %dma_start3A_346 : memref<1x128x64xf32, #tpu.memory_space<vmem>> -> memref<128x64xf32, #tpu.memory_space<vmem>>
          %dma_start3A_348 = arith.constant 0 : i32
          %dma_start3A_349 = tpu.memref_slice %arg5[%add3A_342, %dma_start3A_348] : memref<100x128xi32, #tpu.memory_space<vmem>> -> memref<1x128xi32, #tpu.memory_space<vmem>>
          %dma_start3A_350 = tpu.memref_squeeze %dma_start3A_349 : memref<1x128xi32, #tpu.memory_space<vmem>> -> memref<128xi32, #tpu.memory_space<vmem>>
          %dma_start3A_351 = arith.constant 0 : i32
          %dma_start3A_352 = arith.constant 0 : i32
          %dma_start3A_353 = tpu.memref_slice %arg3[%dma_start3A_351, %dma_start3A_352] : memref<100000x64xf32, #tpu.memory_space<hbm>> -> memref<100000x64xf32, #tpu.memory_space<hbm>>
          tpu.enqueue_indirect_dma source(%dma_start3A_353 : memref<100000x64xf32, #tpu.memory_space<hbm>>) target(%dma_start3A_347 : memref<128x64xf32, #tpu.memory_space<vmem>>) offsets(%dma_start3A_350 : memref<128xi32, #tpu.memory_space<vmem>>) semaphore(%arg10 : memref<!tpu.dma_semaphore, #tpu.memory_space<semaphore_mem>>)
          %mul3A_354 = arith.constant 5 : i32
          %mul3A_355 = arith.muli %add3A_293, %mul3A_354 : i32
          %add3A_356 = arith.constant 4 : i32
          %add3A_357 = arith.addi %mul3A_355, %add3A_356 : i32
          %dma_start3A_358 = arith.constant 4 : i32
          %dma_start3A_359 = arith.constant 0 : i32
          %dma_start3A_360 = arith.constant 0 : i32
          %dma_start3A_361 = tpu.memref_slice %arg7[%dma_start3A_358, %dma_start3A_359, %dma_start3A_360] : memref<5x128x64xf32, #tpu.memory_space<vmem>> -> memref<1x128x64xf32, #tpu.memory_space<vmem>>
          %dma_start3A_362 = tpu.memref_squeeze %dma_start3A_361 : memref<1x128x64xf32, #tpu.memory_space<vmem>> -> memref<128x64xf32, #tpu.memory_space<vmem>>
          %dma_start3A_363 = arith.constant 0 : i32
          %dma_start3A_364 = tpu.memref_slice %arg5[%add3A_357, %dma_start3A_363] : memref<100x128xi32, #tpu.memory_space<vmem>> -> memref<1x128xi32, #tpu.memory_space<vmem>>
          %dma_start3A_365 = tpu.memref_squeeze %dma_start3A_364 : memref<1x128xi32, #tpu.memory_space<vmem>> -> memref<128xi32, #tpu.memory_space<vmem>>
          %dma_start3A_366 = arith.constant 0 : i32
          %dma_start3A_367 = arith.constant 0 : i32
          %dma_start3A_368 = tpu.memref_slice %arg3[%dma_start3A_366, %dma_start3A_367] : memref<100000x64xf32, #tpu.memory_space<hbm>> -> memref<100000x64xf32, #tpu.memory_space<hbm>>
          tpu.enqueue_indirect_dma source(%dma_start3A_368 : memref<100000x64xf32, #tpu.memory_space<hbm>>) target(%dma_start3A_362 : memref<128x64xf32, #tpu.memory_space<vmem>>) offsets(%dma_start3A_365 : memref<128xi32, #tpu.memory_space<vmem>>) semaphore(%arg10 : memref<!tpu.dma_semaphore, #tpu.memory_space<semaphore_mem>>)
        } else {
        }
      }
      %scan3A_146 = arith.constant 10 : i32
      "tpu.region"() ({
        %run_scoped3A = tpu.sem_alloc : memref<!tpu.dma_semaphore, #tpu.memory_space<semaphore_mem>>
        %dma_start3A_147 = arith.constant 0 : i32
        %dma_start3A_148 = tpu.memref_slice %arg4[%add3A_14, %dma_start3A_147] : memref<16384x64xf32, #tpu.memory_space<hbm>> -> memref<128x64xf32, #tpu.memory_space<hbm>>
        %dma_start3A_149 = arith.constant 0 : i32
        %dma_start3A_150 = tpu.memref_slice %arg4[%add3A_14, %dma_start3A_149] : memref<16384x64xf32, #tpu.memory_space<hbm>> -> memref<128x64xf32, #tpu.memory_space<hbm>>
        tpu.enqueue_dma source(%arg8 : memref<128x64xf32, #tpu.memory_space<vmem>>) target(%dma_start3A_150 : memref<128x64xf32, #tpu.memory_space<hbm>>) target_semaphore(%run_scoped3A : memref<!tpu.dma_semaphore, #tpu.memory_space<semaphore_mem>>)
        %dma_wait3A = arith.constant 0 : i32
        %dma_wait3A_151 = tpu.memref_slice %arg4[%add3A_14, %dma_wait3A] : memref<16384x64xf32, #tpu.memory_space<hbm>> -> memref<128x64xf32, #tpu.memory_space<hbm>>
        %dma_wait3A_152 = arith.constant 0 : i32
        %dma_wait3A_153 = tpu.memref_slice %arg4[%add3A_14, %dma_wait3A_152] : memref<16384x64xf32, #tpu.memory_space<hbm>> -> memref<128x64xf32, #tpu.memory_space<hbm>>
        tpu.wait_dma2 semaphore(%run_scoped3A : memref<!tpu.dma_semaphore, #tpu.memory_space<semaphore_mem>>) src(%arg8 : memref<128x64xf32, #tpu.memory_space<vmem>>) dst(%dma_wait3A_153 : memref<128x64xf32, #tpu.memory_space<hbm>>)
        tpu.yield
      }) : () -> ()
    }
    %scan3A_4 = arith.constant 4 : i32
    return
  }
}

module attributes {stable_mosaic.version = 14 : i64} {
  func.func @_bcast_body(%arg0: i32, %arg1: memref<1024x64xf32, #tpu.memory_space<vmem>>, %arg2: memref<40x64x1024xf32, #tpu.memory_space<vmem>>) attributes {dimension_semantics = [#tpu.dimension_semantics<arbitrary>], iteration_bounds = array<i64: 16>, scalar_prefetch = 0 : i64, scratch_operands = 0 : i64, tpu.core_type = #tpu.core_type<tc>, window_params = [{transform_indices = @transform_0, window_bounds = array<i64: 1024, 64>}, {transform_indices = @transform_1, window_bounds = array<i64: 40, 64, 1024>}]} {
    %get3A = arith.constant 0 : index
    %get3A_0 = arith.constant 0 : index
    %get3A_1 = vector.load %arg1[%get3A, %get3A_0] : memref<1024x64xf32, #tpu.memory_space<vmem>>, vector<1024x64xf32>
    %transpose3A = tpu.transpose %get3A_1, [1, 0] : vector<1024x64xf32> -> vector<64x1024xf32>
    %broadcast_in_dim3A = vector.shape_cast %transpose3A : vector<64x1024xf32> to vector<1x64x1024xf32>
    %broadcast_in_dim3A_2 = vector.shape_cast %broadcast_in_dim3A : vector<1x64x1024xf32> to vector<1x64x1024xf32>
    %broadcast_in_dim3A_3 = vector.broadcast %broadcast_in_dim3A_2 : vector<1x64x1024xf32> to vector<40x64x1024xf32>
    %swap3A = arith.constant 0 : index
    %swap3A_4 = arith.constant 0 : index
    %swap3A_5 = arith.constant 0 : index
    %swap3A_6 = vector.load %arg2[%swap3A, %swap3A_4, %swap3A_5] : memref<40x64x1024xf32, #tpu.memory_space<vmem>>, vector<40x64x1024xf32>
    tpu.vector_store %arg2[%swap3A, %swap3A_4, %swap3A_5], %broadcast_in_dim3A_3 {strides = array<i32>} : memref<40x64x1024xf32, #tpu.memory_space<vmem>>, vector<40x64x1024xf32>,
    return
  }
  func.func @transform_0(%arg0: i32) -> (i32, i32) {
    %c0_i32 = arith.constant 0 : i32
    %c0_i32_0 = arith.constant 0 : i32
    return %arg0, %c0_i32 : i32, i32
  }
  func.func @transform_1(%arg0: i32) -> (i32, i32, i32) {
    %add3A = arith.constant 0 : i32
    %add3A_0 = arith.addi %arg0, %add3A : i32
    %c0_i32 = arith.constant 0 : i32
    %c0_i32_1 = arith.constant 0 : i32
    %c0_i32_2 = arith.constant 0 : i32
    return %c0_i32, %c0_i32_1, %add3A_0 : i32, i32, i32
  }
}

</mosaic_0001>

<sc_bundles>
// kernel: kernel.4.cloned.1.call-start
scs
__scs_entry_jumppad:
0x0: {  	(pc) =	sbr.rel $0x88, $3  }
0x1: {  	(tag) =	ssettag $0x0;
	lr =	simm.s32 $0x1  }
0x2: {  	[smem:$0x3F9F] =	sst lr;
	_ =	strace $0xD0000000  }
0x3: {  	_ = 	snop  }
0x4: {  	_ = 	snop  }
0x5: {  	_ = 	snop  }
0x6: {  	_ = 	snop  }
0x7: {  	_ = 	snop  }
__scs_overlays_trampoline_lowered:
0x8: {  	[smem:$0x3FAE] =	sst s0  }
0x9: {  	[smem:$0x3FAF] =	sst s1  }
0xa: {  	[smem:$0x3FB0] =	sst s2  }
0xb: {  	[smem:$0x3FB1] =	sst s3  }
0xc: {  	[smem:$0x3FB2] =	sst s4  }
0xd: {  	[smem:$0x3FB3] =	sst s5  }
0xe: {  	[smem:$0x3FB4] =	sst s6  }
0xf: {  	[smem:$0x3FB5] =	sst s7  }
0x10: {  	[smem:$0x3FB6] =	sst s8  }
0x11: {  	[smem:$0x3FB7] =	sst s9;
	s0 =	simm.s32 @!p0 $0x0  }
0x12: {  	s1 =	sld [smem:$0x3F9D];
	s0 =	simm.s32 @p0 $0x1  }
0x13: {  	[smem:$0x3FB8] =	sst s0;
	s0 =	simm.s32 @!p1 $0x0  }
0x14: {  	s2 =	sld [smem:$0x3F9C];
	s0 =	simm.s32 @p1 $0x1  }
0x15: {  	[smem:$0x3FB9] =	sst s0;
	s0 =	simm.s32 @!p2 $0x0  }
0x16: {  	s3 =	sld [smem:$0x3FDB];
	s0 =	simm.s32 @p2 $0x1  }
0x17: {  	s4 =	simm.s32 $0x1BF5;
	[smem:$0x3FBB] =	sst s0  }
0x18: {  	s0 =	sld [smem:$0x3F9E];
	_ =	swait.ge [sflag:s4], $0x0  }
0x19: {  	s7 =	sld [smem:$0x3F9F]  }
0x1a: {  	s8 =	sadd.s32 $0xFFFFE003, lr  }
0x1b: {  	s9 =	sadd.s32 $0xFFFFFEF7, lr;
	s5 =	simm.s32 $0xFFFFFFFF;
	p2 =	slt.u32 s8, $0xFFFFF086  }
0x1c: {  	p1 =	slt.u32 s9, $0xF7A;
	s5 =	simm.s32 @!p2 $0x0  }
0x1d: {  	s5 =	simm.s32 @p1 $0x1;
	p0 =	seq.s32 s7, s2  }
0x1e: {  	s7 =	smul.u32 @!p0 $0xF7A, s2;
	p2 =	seq.s32 @!p0 s5, $0x0  }
0x1f: {  	s9 =	smul.u32 $0xF7A, s1;
	s8 =	simm.s32 @!p0 $0x1BF5;
	p2 =	por !p2, p0  }
0x20: {  	[sflag:s8] =	ssyncset.s32 @!p0 $0xFFFFF086;
	s6 =	sadd.s32 @!p0 s3, s7;
	s7 =	simm.s32 @!p0 $0x108  }
0x21: {  	s3 =	sadd.s32 s3, s9;
	s6 =	sadd.s32 @!p0 $0x88, s6;
	s7 =	simm.s32 @p2 $0x1082  }
0x22: {  	[simem:s7], [sflag:s8] =	dma.local @!p0 [hbm:s6], $0xF7A  }
0x23: {  	s9 =	sor.u32 $0xD0000000, s2;
	s6 =	simm.s32 $0x108;
	_ =	swait.ge @!p0 [sflag:s8], $0x0  }
0x24: {  	s3 =	sadd.s32 $0x88, s3;
	s6 =	simm.s32 @!p1 $0x1082;
	[sflag:s4] =	ssyncset.s32 $0xFFFFF086  }
0x25: {  	[simem:s6], [sflag:s4] =	dma.local [hbm:s3], $0xF7A  }
0x26: {  	[smem:$0x3F9F] =	sst s1;
	(tag) =	ssettag s2;
	_ =	strace s9  }
0x27: {  	s1 =	sld [smem:$0x3FAF]  }
0x28: {  	s2 =	sld [smem:$0x3FB0]  }
0x29: {  	s4 =	sld [smem:$0x3FB2]  }
0x2a: {  	p0 =	seq.s32 s5, $0x0;
	s5 =	sld [smem:$0x3FB3]  }
0x2b: {  	s6 =	sld [smem:$0x3FB4]  }
0x2c: {  	s7 =	sld [smem:$0x3FB5]  }
0x2d: {  	s3 =	simm.s32 $0x108;
	s8 =	sld [smem:$0x3FB6]  }
0x2e: {  	s3 =	simm.s32 @!p0 $0x1082;
	s9 =	sld [smem:$0x3FB7]  }
0x2f: {  	lr =	sadd.s32 s0, s3;
	s0 =	sld [smem:$0x3FAE]  }
0x30: {  	s3 =	sld [smem:$0x3FB1]  }
0x31: {  	[smem:$0x3FBA] =	sst s10  }
0x32: {  	s10 =	sld [smem:$0x3FB8];
	_ =	sdelay $0x3  }
0x33: {  	p0 =	seq.s32 s10, $0x1;
	s10 =	sld [smem:$0x3FBA];
	_ =	sdelay $0x3  }
0x34: {  	[smem:$0x3FBA] =	sst s10  }
0x35: {  	s10 =	sld [smem:$0x3FB9];
	_ =	sdelay $0x3  }
0x36: {  	p1 =	seq.s32 s10, $0x1;
	s10 =	sld [smem:$0x3FBA];
	_ =	sdelay $0x3  }
0x37: {  	[smem:$0x3FBA] =	sst s10  }
0x38: {  	s10 =	sld [smem:$0x3FBB]  }
0x39: {  	_ = 	snop;
	(pc) =	sbr.ind lr, $3  }
0x3a: {  	_ = 	snop  }
0x3b: {  	_ = 	snop  }
0x3c: {  	p2 =	seq.s32 s10, $0x1;
	s10 =	sld [smem:$0x3FBA]  }
0x3d: {  	_ =	shalt  }
0x3e: {  	_ =	shalt  }
0x3f: {  	_ =	shalt  }
0x40: {  	_ =	shalt  }
0x41: {  	_ =	shalt  }
0x42: {  	_ =	shalt  }
0x43: {  	_ =	shalt  }
0x44: {  	_ =	shalt  }
0x45: {  	_ =	shalt  }
0x46: {  	_ =	shalt  }
0x47: {  	_ =	shalt  }
0x48: {  	_ =	shalt  }
0x49: {  	_ =	shalt  }
0x4a: {  	_ =	shalt  }
0x4b: {  	_ =	shalt  }
0x4c: {  	_ =	shalt  }
0x4d: {  	_ =	shalt  }
0x4e: {  	_ =	shalt  }
0x4f: {  	_ =	shalt  }
0x50: {  	_ =	shalt  }
0x51: {  	_ =	shalt  }
0x52: {  	_ =	shalt  }
0x53: {  	_ =	shalt  }
0x54: {  	_ =	shalt  }
0x55: {  	_ =	shalt  }
0x56: {  	_ =	shalt  }
0x57: {  	_ =	shalt  }
0x58: {  	_ =	shalt  }
0x59: {  	_ =	shalt  }
0x5a: {  	_ =	shalt  }
0x5b: {  	_ =	shalt  }
0x5c: {  	_ =	shalt  }
0x5d: {  	_ =	shalt  }
0x5e: {  	_ =	shalt  }
0x5f: {  	_ =	shalt  }
0x60: {  	_ =	shalt  }
0x61: {  	_ =	shalt  }
0x62: {  	_ =	shalt  }
0x63: {  	_ =	shalt  }
0x64: {  	_ =	shalt  }
0x65: {  	_ =	shalt  }
0x66: {  	_ =	shalt  }
0x67: {  	_ =	shalt  }
0x68: {  	_ =	shalt  }
0x69: {  	_ =	shalt  }
0x6a: {  	_ =	shalt  }
0x6b: {  	_ =	shalt  }
0x6c: {  	_ =	shalt  }
0x6d: {  	_ =	shalt  }
0x6e: {  	_ =	shalt  }
0x6f: {  	_ =	shalt  }
0x70: {  	_ =	shalt  }
0x71: {  	_ =	shalt  }
0x72: {  	_ =	shalt  }
0x73: {  	_ =	shalt  }
0x74: {  	_ =	shalt  }
0x75: {  	_ =	shalt  }
0x76: {  	_ =	shalt  }
0x77: {  	_ =	shalt  }
0x78: {  	_ =	shalt  }
0x79: {  	_ =	shalt  }
0x7a: {  	_ =	shalt  }
0x7b: {  	_ =	shalt  }
0x7c: {  	_ =	shalt  }
0x7d: {  	_ =	shalt  }
0x7e: {  	_ =	shalt  }
0x7f: {  	_ =	shalt  }
0x80: {  	_ =	shalt  }
0x81: {  	_ =	shalt  }
0x82: {  	_ =	shalt  }
0x83: {  	_ =	shalt  }
0x84: {  	_ =	shalt  }
0x85: {  	_ =	shalt  }
0x86: {  	_ =	shalt  }
0x87: {  	_ =	shalt  }
.Lfunc_end0:
.L_simem_size_0:
called_computation_lowered:
.L_overlay_start_0:
0x88: {  	s2 =	sld [smem:$0x3FD9]  }
0x89: {  	s3 =	sld [smem:$0x3FFE];
	_ =	sdelay $0x1  }
0x8a: {  	s1 =	srdreg.scid  }
0x8b: {  	s0 =	sand.u32 $0x1, s1  }
0x8c: {  	s17 =	sshll.u32 s0, $0xA;
	s2 =	sadd.s32 s3, s2  }
0x8d: {  	s2 =	sadd.s32 s2, s17  }
0x8e: {  	[smem:$0x3FC6] =	sst s2  }
0x8f: {  	_ = 	snop  }
0x90: {  	s2 =	sld [smem:$0x3FD0];
	(tm) =	ssettm $0x1  }
0x91: {  	s18 =	sld [smem:$0x3FFB];
	_ =	sdelay $0x3  }
0x92: {  	_ =	strace s18  }
0x93: {  	s3 =	sld [smem:$0x3FFC];
	_ =	sdelay $0x3  }
0x94: {  	_ =	strace s3  }
0x95: {  	s3 =	sld [smem:$0x3FFD];
	_ =	sdelay $0x3  }
0x96: {  	_ =	strace s3  }
0x97: {  	_ =	strace $0x8FFFFFFF  }
0x98: {  	s19 =	sld [smem:$0x3FDB];
	_ =	sdelay $0x1  }
0x99: {  	s4 =	simm.s32 $_scs_section_size  }
0x9a: {  	s5 =	simm.s32 $_size__tile_overlayer_lowered;
	s6 =	simm.s32 $_tile_overlayer_lowered  }
0x9b: {  	s22 =	simm.s32 $0x1BFF;
	s21 =	sshll.u32 s6, $0x1;
	s3 =	sadd.s32 s4, s19  }
0x9c: {  	s7 =	simm.s32 $0x0;
	s20 =	sshll.u32 s5, $0x1;
	s5 =	sadd.s32 s21, s3  }
0x9d: {  	[timem:s7], [sflag:s22] =	dma.local [hbm:s5], s20  }
0x9e: {  	_ =	swait.ge [sflag:s22], s20  }
0x9f: {  	s4 =	ssub.s32 $0x0, s20;
	[sflag:s22] =	ssyncset.done $0x0  }
0xa0: {  	[sflag:s22] =	ssyncadd.s32 s4;
	_ =	sdelay $0x1  }
0xa1: {  	s23 =	simm.s32 $0x1B8B  }
0xa2: {  	_ =	swait.ge [sflag:s23], $0x1  }
0xa3: {  	[sflag:s23] =	ssyncset.done $0x0  }
0xa4: {  	s25 =	simm.s32 $0x1B8E;
	s24 =	sld [smem:$0x3FFE];
	[sflag:s23] =	ssyncadd.s32 $0xFFFFFFFF  }
0xa5: {  	s26 =	simm.s32 $execute0_lowered;
	[smem:$0x3FD2] =	sst s25  }
0xa6: {  	s5 =	sshll.u32 s26, $0x1;
	_ =	strace $0x80000046;
	[dreg:$0x1] =	wrdreg $0xFFFFFFFF  }
0xa7: {  	s28 =	simm.s32 $_size_execute0_lowered;
	s3 =	sadd.s32 s3, s5;
	[dreg:$0x0] =	wrdreg $0x0  }
0xa8: {  	s5 =	sshll.u32 s28, $0x1;
	[dreg:$0x2] =	wrdreg s3  }
0xa9: {  	[dreg:$0x3] =	wrdreg s5  }
0xaa: {  	[dreg:$0x4] =	wrdreg $0xC0  }
0xab: {  	_ =	task [dreg:s7], $0x5FFFF  }
0xac: {  	[dreg:$0x1] =	wrdreg $0xFFFFFFFF  }
0xad: {  	[dreg:$0x0] =	wrdreg $0x60  }
0xae: {  	[dreg:$0x2] =	wrdreg s24  }
0xaf: {  	[dreg:$0x3] =	wrdreg s2  }
0xb0: {  	[dreg:$0x4] =	wrdreg $0x9  }
0xb1: {  	_ =	task.clear_ibuf [dreg:s7], $0x5FFFF;
	_ =	strace $0x90000046  }
0xb2: {  	s29 =	simm.s32 $0x9;
	_ =	strace $0x80000048  }
0xb3: {  	_ =	swait.ge [sflag:s29], $0x1  }
0xb4: {  	[sflag:s29] =	ssyncadd.s32 $0xFFFFFFFF  }
0xb5: {  	_ =	strace $0x90000048  }
0xb6: {  	_ =	sfence  }
0xb7: {  	s30 =	sld [smem:$0x0];
	_ =	sdelay $0x2  }
0xb8: {  	s31 =	sshll.u32 s1, $0xD;
	s1 =	sshrl.u32 s1, $0x2  }
0xb9: {  	s3 =	sand.u32 $0x4000, s31;
	s1 =	sadd.s32 s1, s30  }
0xba: {  	s0 =	sor.u32 s3, s0;
	s1 =	sshll.u32 s1, $0x11  }
0xbb: {  	s0 =	sor.u32 s1, s0  }
0xbc: {  	s0 =	sadd.s32 $0x8F2B, s0  }
0xbd: {  	[sflag:s0] =	ssyncadd.remote.s32 $0x1  }
0xbe: {  	_ =	sfence.sel $0xFFFF  }
0xbf: {  	[dreg:$0x0] =	wrdreg $0xFFFFFFFF;
	(pc) =	sbr.abs _section_cstart, $3  }
0xc0: {  	[dreg:$0x1] =	wrdreg $0xFFFFFFFF  }
0xc1: {  	_ =	task.clear_ibuf [dreg:s7], $0x2FFFF;
	_ =	strace $0x9FFFFFFF  }
0xc2: {  	(tm) =	ssettm $0x7FFFFFFF  }
0xc3: {  	_ =	shalt  }
tec
execute0_lowered:
.L_overlay_start_1:
0x0: {  	(tag) =	ssettag $0x1  }
0x1: {  	s0 =	rddreg [dreg:$0x0]  }
0x2: {  	s2 =	simm.s32 $0x0;
	s1 =	srdreg.scid;
	s3 =	stileid.u32  }
0x3: {  	s8 =	simm.s32 $0x80;
	s10 =	simm.s32 $0x3;
	s13 =	simm.s32 $0x100  }
0x4: {  	s14 =	simm.s32 $0x7200;
	s15 =	simm.s32 $0x180;
	s16 =	simm.s32 $0x9200  }
0x5: {  	s17 =	simm.s32 $0x200;
	s18 =	simm.s32 $0xB200;
	s19 =	simm.s32 $0x280  }
0x6: {  	s20 =	simm.s32 $0xD200;
	s21 =	simm.s32 $0x300;
	s22 =	simm.s32 $0xF200  }
0x7: {  	s23 =	simm.s32 $0x380;
	s28 =	simm.s32 $0x480;
	s29 =	simm.s32 $0x15200  }
0x8: {  	s30 =	simm.s32 $0x1;
	s31 =	simm.s32 $0x2;
	[smem:$0x7FF] =	sst s2  }
0x9: {  	s1 =	sand.u32 $0x1, s1;
	s4 =	sadd.s32 $0x600, s0;
	s5 =	sadd.s32 $0x32600, s0  }
.Ltmp0:
0xa: {  	s26 =	sshll.u32 s3, $0xA;
	s24 =	ssub.s32 $0x2, s1;
	(pc) =	sbr.rel .LBB2_1-.Ltmp0, $4  }
0xb: {  	s2 =	simm.s32 $0x0;
	s1 =	sshll.u32 s1, $0x9;
	s25 =	sshrl.u32 s24, $0x1  }
0xc: {  	_ =	strace $0x80000047;
	s6 =	sor.u32 s1, s26;
	s0 =	ssub.s32 s24, s25  }
0xd: {  	s26 =	simm.s32 $0x13200;
	s24 =	simm.s32 $0x11200;
	s0 =	smax.u32 s0, $0x1  }
0xe: {  	v0 =	vimm.f32 $0.0e+00;
	s25 =	simm.s32 $0x400;
	[dreg:$0x3] =	wrdreg s0;
	s0 =	simm.s32 $0x17200  }
.LBB2_12:
0xf: {  	s2 =	rddreg [dreg:$0x4]  }
0x10: {  	s1 =	rddreg [dreg:$0x3];
	s2 =	sadd.s32 $0x1, s2  }
0x11: {  	p0 =	sne.s32 s2, s1  }
.Ltmp1:
0x12: {  	_ = 	snop;
	(pc) =	sbr.rel @!p0 .LBB2_13-.Ltmp1, $1  }
0x13: {  	_ =	sdelay $0x3  }
.LBB2_1:
.Ltmp2:
0x14: {  	(pc) =	sbr.rel .LBB2_2-.Ltmp2, $2  }
0x15: {  	_ =	sdelay $0x2  }
0x16: {  	[dreg:$0x4] =	wrdreg s2;
	s7 =	simm.s32 $0x0  }
.LBB2_11:
0x17: {  	s7 =	sadd.s32 $0x1, s7  }
0x18: {  	s1 =	sshll.u32 s3, $0x3;
	s2 =	rddreg [dreg:$0x1];
	p0 =	sne.s32 s7, $0x4  }
.Ltmp3:
0x19: {  	s12 =	simm.s32 $0x0;
	s1 =	sadd.s32 s2, s1;
	(pc) =	sbr.rel @!p0 .LBB2_12-.Ltmp3, $4  }
0x1a: {  	[hbm4b:s1+s12] =	stream.linear.scatter [tilespmem:s0], [sflag:$0x3], $0x2000, $0x38;
	[tilespmem:$0x19200] =	vst v63  }
0x1b: {  	_ =	swait.ge [sflag:s10], $0x2000  }
0x1c: {  	[sflag:s10] =	ssyncset.done $0x0  }
0x1d: {  	[sflag:s10] =	ssyncadd.s32 $0xFFFFE000  }
.LBB2_2:
0x1e: {  	s1 =	sshll.u32 s7, $0x7  }
0x1f: {  	s3 =	sadd.s32 s6, s1  }
0x20: {  	s1 =	sshrl.u32 s3, $0x3  }
0x21: {  	s2 =	simm.s32 $0x0;
	s9 =	simm.s32 $0x4000;
	s1 =	sadd.s32 s4, s1  }
0x22: {  	[tilespmem:s2], [sflag:$0x3] =	stream.strided.gather [hbm4b:s1+s8], $0x3200, s9, s8, $0x38;
	[tilespmem:$0x19200] =	vst v63  }
0x23: {  	_ =	swait.ge [sflag:s10], $0x3200  }
0x24: {  	[sflag:s10] =	ssyncset.done $0x0  }
0x25: {  	s2 =	simm.s32 $0x100;
	s1 =	simm.s32 $0x0;
	[sflag:s10] =	ssyncadd.s32 $0xFFFFCE00  }
.LBB2_3:
0x26: {  	p0 =	sne.s32 s2, $0x7F00;
	[tilespmem:s1+$0x17230] =	vst v0;
	s9 =	smov.u32 s2;
	s2 =	sadd.s32 $0x100, s2  }
.Ltmp4:
0x27: {  	[tilespmem:s1+$0x17220] =	vst v0;
	(pc) =	sbr.rel @p0 .LBB2_3-.Ltmp4, $3  }
0x28: {  	[tilespmem:s1+$0x17200] =	vst v0  }
0x29: {  	[tilespmem:s1+$0x17210] =	vst v0;
	_ =	sdelay $0x1  }
0x2a: {  	s1 =	sshra.s32 s9, $0x2  }
0x2b: {  	[tilespmem:s1+$0x17230] =	vst v0  }
0x2c: {  	[tilespmem:s1+$0x17220] =	vst v0  }
0x2d: {  	[tilespmem:s1+$0x17200] =	vst v0  }
0x2e: {  	[tilespmem:s1+$0x17210] =	vst v0;
	s1 =	simm.s32 $0x0;
	s2 =	simm.s32 $0x3200  }
0x2f: {  	[tilespmem:s2], [sflag:$0x1] =	stream.indirect.gather [hbm4b:s5+s8], $0x40, s1, s8, $0xb8;
	[tilespmem:$0x19200] =	vst v63  }
0x30: {  	s12 =	simm.s32 $0x5200  }
0x31: {  	[tilespmem:s12], [sflag:$0x1] =	stream.indirect.gather [hbm4b:s5+s8], $0x40, s8, s8, $0xb8;
	[tilespmem:$0x19200] =	vst v63  }
0x32: {  	_ = 	snop  }
0x33: {  	[tilespmem:s14], [sflag:$0x1] =	stream.indirect.gather [hbm4b:s5+s8], $0x40, s13, s8, $0xb8;
	[tilespmem:$0x19200] =	vst v63  }
0x34: {  	_ = 	snop  }
0x35: {  	[tilespmem:s16], [sflag:$0x1] =	stream.indirect.gather [hbm4b:s5+s8], $0x40, s15, s8, $0xb8;
	[tilespmem:$0x19200] =	vst v63  }
0x36: {  	_ = 	snop  }
0x37: {  	[tilespmem:s18], [sflag:$0x1] =	stream.indirect.gather [hbm4b:s5+s8], $0x40, s17, s8, $0xb8;
	[tilespmem:$0x19200] =	vst v63  }
0x38: {  	_ = 	snop  }
0x39: {  	[tilespmem:s20], [sflag:$0x2] =	stream.indirect.gather [hbm4b:s5+s8], $0x40, s19, s8, $0xb8;
	[tilespmem:$0x19200] =	vst v63  }
0x3a: {  	_ = 	snop  }
0x3b: {  	[tilespmem:s22], [sflag:$0x2] =	stream.indirect.gather [hbm4b:s5+s8], $0x40, s21, s8, $0xb8;
	[tilespmem:$0x19200] =	vst v63  }
0x3c: {  	_ = 	snop  }
0x3d: {  	[tilespmem:s24], [sflag:$0x2] =	stream.indirect.gather [hbm4b:s5+s8], $0x40, s23, s8, $0xb8;
	[tilespmem:$0x19200] =	vst v63  }
0x3e: {  	_ = 	snop  }
0x3f: {  	[tilespmem:s26], [sflag:$0x2] =	stream.indirect.gather [hbm4b:s5+s8], $0x40, s25, s8, $0xb8;
	[tilespmem:$0x19200] =	vst v63  }
0x40: {  	_ = 	snop  }
0x41: {  	[tilespmem:s29], [sflag:$0x2] =	stream.indirect.gather [hbm4b:s5+s8], $0x40, s28, s8, $0xb8;
	[tilespmem:$0x19200] =	vst v63  }
.LBB2_5:
0x42: {  	_ =	swait.ge [sflag:s30], $0x2000  }
0x43: {  	[sflag:s30] =	ssyncset.done $0x0  }
0x44: {  	[sflag:s30] =	ssyncadd.s32 $0xFFFFE000  }
0x45: {  	_ =	swait.ge [sflag:s30], $0x2000  }
0x46: {  	[sflag:s30] =	ssyncset.done $0x0  }
0x47: {  	[sflag:s30] =	ssyncadd.s32 $0xFFFFE000  }
0x48: {  	_ =	swait.ge [sflag:s30], $0x2000  }
0x49: {  	[sflag:s30] =	ssyncset.done $0x0  }
0x4a: {  	[sflag:s30] =	ssyncadd.s32 $0xFFFFE000  }
0x4b: {  	_ =	swait.ge [sflag:s30], $0x2000  }
0x4c: {  	[sflag:s30] =	ssyncset.done $0x0  }
0x4d: {  	[sflag:s30] =	ssyncadd.s32 $0xFFFFE000  }
0x4e: {  	_ =	swait.ge [sflag:s30], $0x2000  }
0x4f: {  	[sflag:s30] =	ssyncset.done $0x0  }
0x50: {  	s2 =	simm.s32 $0x0;
	[sflag:s30] =	ssyncadd.s32 $0xFFFFE000  }
0x51: {  	v4 =	vld [tilespmem:s2+$0xB200]  }
0x52: {  	v3 =	vld [tilespmem:s2+$0xB210]  }
0x53: {  	v2 =	vld [tilespmem:s2+$0xB220]  }
0x54: {  	v1 =	vld [tilespmem:s2+$0xB230]  }
0x55: {  	v6 =	vld [tilespmem:s2+$0x9200]  }
0x56: {  	v5 =	vld [tilespmem:s2+$0x9210]  }
0x57: {  	v8 =	vld [tilespmem:s2+$0x7200]  }
0x58: {  	v7 =	vld [tilespmem:s2+$0x7210]  }
0x59: {  	v10 =	vld [tilespmem:s2+$0x3200]  }
0x5a: {  	v13 =	vld [tilespmem:s2+$0x5200]  }
0x5b: {  	v12 =	vld [tilespmem:s2+$0x3210]  }
0x5c: {  	v15 =	vld [tilespmem:s2+$0x5210]  }
0x5d: {  	v11 =	vld [tilespmem:s2+$0x3220]  }
0x5e: {  	v14 =	vld [tilespmem:s2+$0x5220]  }
0x5f: {  	s9 =	simm.s32 $0x100;
	v9 =	vld [tilespmem:s2+$0x3230]  }
.LBB2_6:
0x60: {  	p0 =	sne.s32 s9, $0x7F00;
	v16 =	vld [tilespmem:s2+$0x5230]  }
0x61: {  	v17 =	vld [tilespmem:s2+$0x7220]  }
0x62: {  	v10 =	vadd.f32 v13, v10;
	v13 =	vld [tilespmem:s2+$0x7230]  }
0x63: {  	v12 =	vadd.f32 v15, v12;
	v15 =	vld [tilespmem:s2+$0x9220]  }
0x64: {  	v8 =	vadd.f32 v8, v10;
	v10 =	vadd.f32 v14, v11;
	v11 =	vld [tilespmem:s2+$0x9230]  }
0x65: {  	v7 =	vadd.f32 v7, v12;
	v14 =	vld [tilespmem:s2+$0x17200];
	v9 =	vadd.f32 v16, v9  }
0x66: {  	v6 =	vadd.f32 v6, v8;
	v8 =	vld [tilespmem:s2+$0x17210];
	v10 =	vadd.f32 v17, v10  }
0x67: {  	v5 =	vadd.f32 v5, v7;
	v7 =	vld [tilespmem:s2+$0x17220];
	v9 =	vadd.f32 v13, v9  }
0x68: {  	s11 =	sshra.s32 s9, $0x2;
	v6 =	vadd.f32 v4, v6;
	v10 =	vadd.f32 v15, v10;
	v12 =	vld [tilespmem:s2+$0x17230]  }
0x69: {  	v5 =	vadd.f32 v3, v5;
	v4 =	vld [tilespmem:s11+$0xB200];
	v9 =	vadd.f32 v11, v9  }
0x6a: {  	v3 =	vld [tilespmem:s11+$0xB210];
	v6 =	vadd.f32 v6, v14;
	v10 =	vadd.f32 v2, v10  }
0x6b: {  	v2 =	vld [tilespmem:s11+$0xB220];
	v5 =	vadd.f32 v5, v8;
	v8 =	vadd.f32 v1, v9  }
0x6c: {  	v1 =	vld [tilespmem:s11+$0xB230];
	[tilespmem:s2+$0x17200] =	vst v6;
	v7 =	vadd.f32 v10, v7  }
0x6d: {  	v6 =	vld [tilespmem:s11+$0x9200];
	[tilespmem:s2+$0x17210] =	vst v5;
	v9 =	vadd.f32 v8, v12  }
0x6e: {  	v5 =	vld [tilespmem:s11+$0x9210];
	[tilespmem:s2+$0x17220] =	vst v7  }
0x6f: {  	v8 =	vld [tilespmem:s11+$0x7200];
	[tilespmem:s2+$0x17230] =	vst v9;
	s2 =	smov.u32 s11  }
0x70: {  	v7 =	vld [tilespmem:s2+$0x7210]  }
0x71: {  	v10 =	vld [tilespmem:s2+$0x3200]  }
0x72: {  	v13 =	vld [tilespmem:s2+$0x5200]  }
.Ltmp5:
0x73: {  	v12 =	vld [tilespmem:s2+$0x3210];
	(pc) =	sbr.rel @p0 .LBB2_6-.Ltmp5, $4  }
0x74: {  	v15 =	vld [tilespmem:s2+$0x5210]  }
0x75: {  	v11 =	vld [tilespmem:s2+$0x3220]  }
0x76: {  	v14 =	vld [tilespmem:s2+$0x5220]  }
0x77: {  	s9 =	sadd.s32 $0x100, s9;
	v9 =	vld [tilespmem:s2+$0x3230]  }
0x78: {  	v16 =	vld [tilespmem:s2+$0x5230]  }
0x79: {  	v17 =	vld [tilespmem:s2+$0x7220]  }
0x7a: {  	v10 =	vadd.f32 v13, v10;
	v13 =	vld [tilespmem:s2+$0x7230]  }
0x7b: {  	v12 =	vadd.f32 v15, v12;
	v15 =	vld [tilespmem:s2+$0x9220]  }
0x7c: {  	v8 =	vadd.f32 v8, v10;
	v10 =	vadd.f32 v14, v11;
	v11 =	vld [tilespmem:s2+$0x9230]  }
0x7d: {  	v14 =	vld [tilespmem:s2+$0x17200];
	v7 =	vadd.f32 v7, v12;
	v9 =	vadd.f32 v16, v9  }
0x7e: {  	v6 =	vadd.f32 v6, v8;
	v8 =	vld [tilespmem:s2+$0x17210];
	v10 =	vadd.f32 v17, v10  }
0x7f: {  	v5 =	vadd.f32 v5, v7;
	v7 =	vld [tilespmem:s2+$0x17220];
	v9 =	vadd.f32 v13, v9  }
0x80: {  	v4 =	vadd.f32 v4, v6;
	v6 =	vadd.f32 v15, v10;
	v10 =	vld [tilespmem:s2+$0x17230]  }
0x81: {  	v3 =	vadd.f32 v3, v5;
	v5 =	vadd.f32 v11, v9  }
0x82: {  	v4 =	vadd.f32 v4, v14;
	v2 =	vadd.f32 v2, v6  }
0x83: {  	p0 =	seq.s32 s1, $0x9;
	v3 =	vadd.f32 v3, v8;
	v1 =	vadd.f32 v1, v5  }
0x84: {  	s9 =	smul.u32 @!p0 $0x1400, s1;
	[tilespmem:s2+$0x17200] =	vst v4;
	v2 =	vadd.f32 v2, v7  }
0x85: {  	[tilespmem:s2+$0x17210] =	vst v3;
	v1 =	vadd.f32 v1, v10  }
0x86: {  	s9 =	sshra.s32 @!p0 s9, $0x2;
	[tilespmem:s2+$0x17220] =	vst v2  }
0x87: {  	s11 =	simm.s32 @!p0 $0x80;
	s12 =	simm.s32 @!p0 $0x3200;
	[tilespmem:s2+$0x17230] =	vst v1;
	s2 =	sadd.s32 @!p0 $0x500, s9  }
0x88: {  	[tilespmem:s12], [sflag:$0x1] =	stream.indirect.gather @!p0 [hbm4b:s5+s11], $0x40, s2, s11, $0xb8;
	[tilespmem:$0x19200] =	vst v63  }
0x89: {  	s2 =	sadd.s32 @!p0 $0x580, s9;
	s12 =	simm.s32 @!p0 $0x5200  }
0x8a: {  	[tilespmem:s12], [sflag:$0x1] =	stream.indirect.gather @!p0 [hbm4b:s5+s11], $0x40, s2, s11, $0xb8;
	[tilespmem:$0x19200] =	vst v63  }
0x8b: {  	s2 =	sadd.s32 @!p0 $0x600, s9;
	s12 =	simm.s32 @!p0 $0x7200  }
0x8c: {  	[tilespmem:s12], [sflag:$0x1] =	stream.indirect.gather @!p0 [hbm4b:s5+s11], $0x40, s2, s11, $0xb8;
	[tilespmem:$0x19200] =	vst v63  }
0x8d: {  	s2 =	sadd.s32 @!p0 $0x680, s9;
	s12 =	simm.s32 @!p0 $0x9200  }
0x8e: {  	[tilespmem:s12], [sflag:$0x1] =	stream.indirect.gather @!p0 [hbm4b:s5+s11], $0x40, s2, s11, $0xb8;
	[tilespmem:$0x19200] =	vst v63  }
0x8f: {  	s2 =	sadd.s32 @!p0 $0x700, s9;
	s9 =	simm.s32 @!p0 $0xB200  }
0x90: {  	[tilespmem:s9], [sflag:$0x1] =	stream.indirect.gather @!p0 [hbm4b:s5+s11], $0x40, s2, s11, $0xb8;
	[tilespmem:$0x19200] =	vst v63  }
0x91: {  	_ =	swait.ge [sflag:s31], $0x2000  }
0x92: {  	[sflag:s31] =	ssyncset.done $0x0  }
0x93: {  	[sflag:s31] =	ssyncadd.s32 $0xFFFFE000  }
0x94: {  	_ =	swait.ge [sflag:s31], $0x2000  }
0x95: {  	[sflag:s31] =	ssyncset.done $0x0  }
0x96: {  	[sflag:s31] =	ssyncadd.s32 $0xFFFFE000  }
0x97: {  	_ =	swait.ge [sflag:s31], $0x2000  }
0x98: {  	[sflag:s31] =	ssyncset.done $0x0  }
0x99: {  	[sflag:s31] =	ssyncadd.s32 $0xFFFFE000  }
0x9a: {  	_ =	swait.ge [sflag:s31], $0x2000  }
0x9b: {  	[sflag:s31] =	ssyncset.done $0x0  }
0x9c: {  	[sflag:s31] =	ssyncadd.s32 $0xFFFFE000  }
0x9d: {  	_ =	swait.ge [sflag:s31], $0x2000  }
0x9e: {  	[sflag:s31] =	ssyncset.done $0x0  }
0x9f: {  	s2 =	simm.s32 $0x0;
	[sflag:s31] =	ssyncadd.s32 $0xFFFFE000  }
0xa0: {  	v4 =	vld [tilespmem:s2+$0x15200]  }
0xa1: {  	v3 =	vld [tilespmem:s2+$0x15210]  }
0xa2: {  	v2 =	vld [tilespmem:s2+$0x15220]  }
0xa3: {  	v1 =	vld [tilespmem:s2+$0x15230]  }
0xa4: {  	v6 =	vld [tilespmem:s2+$0x13200]  }
0xa5: {  	v5 =	vld [tilespmem:s2+$0x13210]  }
0xa6: {  	v8 =	vld [tilespmem:s2+$0x11200]  }
0xa7: {  	v7 =	vld [tilespmem:s2+$0x11210]  }
0xa8: {  	v10 =	vld [tilespmem:s2+$0xD200]  }
0xa9: {  	v13 =	vld [tilespmem:s2+$0xF200]  }
0xaa: {  	v12 =	vld [tilespmem:s2+$0xD210]  }
0xab: {  	v15 =	vld [tilespmem:s2+$0xF210]  }
0xac: {  	v11 =	vld [tilespmem:s2+$0xD220]  }
0xad: {  	v14 =	vld [tilespmem:s2+$0xF220]  }
0xae: {  	s9 =	simm.s32 $0x100;
	v9 =	vld [tilespmem:s2+$0xD230]  }
.LBB2_8:
0xaf: {  	p1 =	sne.s32 s9, $0x7F00;
	v16 =	vld [tilespmem:s2+$0xF230]  }
0xb0: {  	v17 =	vld [tilespmem:s2+$0x11220]  }
0xb1: {  	v10 =	vadd.f32 v13, v10;
	v13 =	vld [tilespmem:s2+$0x11230]  }
0xb2: {  	v12 =	vadd.f32 v15, v12;
	v15 =	vld [tilespmem:s2+$0x13220]  }
0xb3: {  	v8 =	vadd.f32 v8, v10;
	v10 =	vadd.f32 v14, v11;
	v11 =	vld [tilespmem:s2+$0x13230]  }
0xb4: {  	v7 =	vadd.f32 v7, v12;
	v14 =	vld [tilespmem:s2+$0x17200];
	v9 =	vadd.f32 v16, v9  }
0xb5: {  	v6 =	vadd.f32 v6, v8;
	v8 =	vld [tilespmem:s2+$0x17210];
	v10 =	vadd.f32 v17, v10  }
0xb6: {  	v5 =	vadd.f32 v5, v7;
	v7 =	vld [tilespmem:s2+$0x17220];
	v9 =	vadd.f32 v13, v9  }
0xb7: {  	s11 =	sshra.s32 s9, $0x2;
	v6 =	vadd.f32 v4, v6;
	v10 =	vadd.f32 v15, v10;
	v12 =	vld [tilespmem:s2+$0x17230]  }
0xb8: {  	v5 =	vadd.f32 v3, v5;
	v4 =	vld [tilespmem:s11+$0x15200];
	v9 =	vadd.f32 v11, v9  }
0xb9: {  	v3 =	vld [tilespmem:s11+$0x15210];
	v6 =	vadd.f32 v6, v14;
	v10 =	vadd.f32 v2, v10  }
0xba: {  	v2 =	vld [tilespmem:s11+$0x15220];
	v5 =	vadd.f32 v5, v8;
	v8 =	vadd.f32 v1, v9  }
0xbb: {  	v1 =	vld [tilespmem:s11+$0x15230];
	[tilespmem:s2+$0x17200] =	vst v6;
	v7 =	vadd.f32 v10, v7  }
0xbc: {  	v6 =	vld [tilespmem:s11+$0x13200];
	[tilespmem:s2+$0x17210] =	vst v5;
	v9 =	vadd.f32 v8, v12  }
0xbd: {  	v5 =	vld [tilespmem:s11+$0x13210];
	[tilespmem:s2+$0x17220] =	vst v7  }
0xbe: {  	v8 =	vld [tilespmem:s11+$0x11200];
	[tilespmem:s2+$0x17230] =	vst v9;
	s2 =	smov.u32 s11  }
0xbf: {  	v7 =	vld [tilespmem:s2+$0x11210]  }
0xc0: {  	v10 =	vld [tilespmem:s2+$0xD200]  }
0xc1: {  	v13 =	vld [tilespmem:s2+$0xF200]  }
.Ltmp6:
0xc2: {  	v12 =	vld [tilespmem:s2+$0xD210];
	(pc) =	sbr.rel @p1 .LBB2_8-.Ltmp6, $4  }
0xc3: {  	v15 =	vld [tilespmem:s2+$0xF210]  }
0xc4: {  	v11 =	vld [tilespmem:s2+$0xD220]  }
0xc5: {  	v14 =	vld [tilespmem:s2+$0xF220]  }
0xc6: {  	s9 =	sadd.s32 $0x100, s9;
	v9 =	vld [tilespmem:s2+$0xD230]  }
0xc7: {  	v16 =	vld [tilespmem:s2+$0xF230]  }
0xc8: {  	v17 =	vld [tilespmem:s2+$0x11220]  }
0xc9: {  	v10 =	vadd.f32 v13, v10;
	v54 =	vld [tilespmem:s2+$0x11230]  }
0xca: {  	v55 =	vld [tilespmem:s2+$0x13220];
	v12 =	vadd.f32 v15, v12  }
0xcb: {  	v57 =	vld [tilespmem:s2+$0x13230];
	v8 =	vadd.f32 v8, v10;
	v56 =	vadd.f32 v14, v11  }
0xcc: {  	v58 =	vld [tilespmem:s2+$0x17200];
	v7 =	vadd.f32 v7, v12;
	v9 =	vadd.f32 v16, v9  }
0xcd: {  	v59 =	vld [tilespmem:s2+$0x17210];
	v6 =	vadd.f32 v6, v8;
	v10 =	vadd.f32 v17, v56  }
0xce: {  	v60 =	vld [tilespmem:s2+$0x17220];
	v5 =	vadd.f32 v5, v7;
	v9 =	vadd.f32 v54, v9  }
0xcf: {  	v62 =	vld [tilespmem:s2+$0x17230];
	v4 =	vadd.f32 v4, v6;
	v61 =	vadd.f32 v55, v10  }
0xd0: {  	v3 =	vadd.f32 v3, v5;
	v63 =	vadd.f32 v57, v9  }
0xd1: {  	v4 =	vadd.f32 v4, v58;
	v2 =	vadd.f32 v2, v61  }
.Ltmp7:
0xd2: {  	v3 =	vadd.f32 v3, v59;
	v1 =	vadd.f32 v1, v63;
	(pc) =	sbr.rel @p0 .LBB2_11-.Ltmp7, $4  }
0xd3: {  	[tilespmem:s2+$0x17200] =	vst v4;
	v2 =	vadd.f32 v2, v60  }
0xd4: {  	[tilespmem:s2+$0x17210] =	vst v3;
	v1 =	vadd.f32 v1, v62  }
0xd5: {  	[tilespmem:s2+$0x17220] =	vst v2  }
0xd6: {  	[tilespmem:s2+$0x17230] =	vst v1  }
0xd7: {  	s2 =	smul.u32 $0x1400, s1;
	_ =	sdelay $0x1  }
0xd8: {  	s2 =	sshra.s32 s2, $0x2  }
0xd9: {  	s9 =	sadd.s32 $0x780, s2  }
0xda: {  	[tilespmem:s20], [sflag:$0x2] =	stream.indirect.gather [hbm4b:s5+s8], $0x40, s9, s8, $0xb8;
	[tilespmem:$0x19200] =	vst v63  }
0xdb: {  	s12 =	sadd.s32 $0x800, s2  }
0xdc: {  	[tilespmem:s22], [sflag:$0x2] =	stream.indirect.gather [hbm4b:s5+s8], $0x40, s12, s8, $0xb8;
	[tilespmem:$0x19200] =	vst v63  }
0xdd: {  	s11 =	sadd.s32 $0x880, s2  }
0xde: {  	[tilespmem:s24], [sflag:$0x2] =	stream.indirect.gather [hbm4b:s5+s8], $0x40, s11, s8, $0xb8;
	[tilespmem:$0x19200] =	vst v63  }
.Ltmp8:
0xdf: {  	_ = 	snop;
	(pc) =	sbr.rel .LBB2_5-.Ltmp8, $4  }
0xe0: {  	s12 =	sadd.s32 $0x900, s2  }
0xe1: {  	[tilespmem:s26], [sflag:$0x2] =	stream.indirect.gather [hbm4b:s5+s8], $0x40, s12, s8, $0xb8;
	[tilespmem:$0x19200] =	vst v63  }
0xe2: {  	s1 =	sadd.s32 $0x1, s1;
	s2 =	sadd.s32 $0x980, s2  }
0xe3: {  	[tilespmem:s29], [sflag:$0x2] =	stream.indirect.gather [hbm4b:s5+s8], $0x40, s2, s8, $0xb8;
	[tilespmem:$0x19200] =	vst v63  }
.LBB2_13:
0xe4: {  	_ =	sfence.sel $0x180000  }
0xe5: {  	[bflag:$0x0] =	sbarrier.arrive $0xFFFF  }
0xe6: {  	_ =	strace $0x90000047  }
0xe7: {  	s0 =	stileid.u32;
	[bflag:$0x2] =	sbarrier.arrive $0xFFFF  }
0xe8: {  	p0 =	sne.s32 s0, $0x0;
	s0 =	rddreg [dreg:$0x2]  }
0xe9: {  	s0 =	sadd.s32 @!p0 $0x100000, s0  }
0xea: {  	[sflag:s0] =	ssyncadd.tile.s32 @!p0 $0x1;
	_ =	shalt  }
.Lfunc_end2:
_tile_overlayer_lowered:
.L_overlay_start_2:
0xeb: {  	(tag) =	ssettag $0x2  }
0xec: {  	s0 =	rddreg [dreg:$0x0];
	s2 =	stileid.u32  }
0xed: {  	s1 =	rddreg [dreg:$0x1];
	p0 =	sne.s32 s2, $0x0  }
0xee: {  	s3 =	rddreg [dreg:$0x2];
	[bflag:$0x3] =	sbarrier.arrive $0xFFFF;
	s2 =	simm.s32 @!p0 $0x1C03  }
0xef: {  	[timem:s3], [sflag:s2] =	dma.local @!p0 [hbm:s0], s1  }
0xf0: {  	s0 =	simm.s32 @!p0 $0x3  }
0xf1: {  	_ =	swait.ge @!p0 [sflag:s0], s1  }
0xf2: {  	s1 =	ssub.s32 @!p0 $0x0, s1;
	[sflag:s0] =	ssyncset.done @!p0 $0x0  }
0xf3: {  	[sflag:s0] =	ssyncadd.s32 @!p0 s1  }
0xf4: {  	[bflag:$0x3] =	sbarrier.arrive $0xFFFF  }
0xf5: {  	_ =	shalt  }

</sc_bundles>
